<compile_context>
chip_gen: v7x
topology: tpu7x:2x2x1
jax: 0.10.2.dev20260603
libtpu: 0.0.44.dev20260713+nightly
codegen_flags: <defaults>
</compile_context>

<pallas_src>
import jax
import jax.numpy as jnp
from jax import lax
from jax.experimental import pallas as pl
from jax.experimental.pallas import tpu as pltpu
from jax.experimental.pallas import tpu_sc as plsc

_N_ROWS = 16384
_N_ATOMS = 200
_NC = 2
_NS = 16
_NW = _NC * _NS
_ROWS_PER_W = _N_ROWS // _NW
_CHUNK_ROWS = 128
_N_CHUNKS = _ROWS_PER_W // _CHUNK_ROWS
_GROUPS_PER_CHUNK = _CHUNK_ROWS // 16
_QUARTER = _N_ATOMS // 4


def _sc_body(species_hbm, energies_hbm, se_hbm, out_hbm,
             spec0, spec1, en_v, out_v, table_v, sem0, sem1):
  cid = lax.axis_index("c")
  sid = lax.axis_index("s")
  wid = sid * _NC + cid
  row0 = wid * _ROWS_PER_W

  pltpu.sync_copy(se_hbm, table_v)
  pltpu.sync_copy(energies_hbm.at[pl.ds(row0, _ROWS_PER_W)], en_v)

  bufs = (spec0, spec1)
  sems = (sem0, sem1)
  lanes = lax.iota(jnp.int32, 16)

  def start_in(k):
    src = species_hbm.at[
        pl.ds((row0 + k * _CHUNK_ROWS) * _N_ATOMS, _CHUNK_ROWS * _N_ATOMS)]
    return pltpu.async_copy(src, bufs[k % 2], sems[k % 2])

  handles = {0: start_in(0)}
  for k in range(_N_CHUNKS):
    handles[k].wait()
    if k + 1 < _N_CHUNKS:
      handles[k + 1] = start_in(k + 1)
    spec_v = bufs[k % 2]

    def group_body(g, carry, spec_v=spec_v, k=k):
      rbase = (g * 16 + lanes) * _N_ATOMS

      def jbody(j, st):
        a0, a1, a2, a3, i0, i1, i2, i3 = st
        a0 = a0 + plsc.load_gather(table_v, [plsc.load_gather(spec_v, [i0])])
        a1 = a1 + plsc.load_gather(table_v, [plsc.load_gather(spec_v, [i1])])
        a2 = a2 + plsc.load_gather(table_v, [plsc.load_gather(spec_v, [i2])])
        a3 = a3 + plsc.load_gather(table_v, [plsc.load_gather(spec_v, [i3])])
        return (a0, a1, a2, a3, i0 + 1, i1 + 1, i2 + 1, i3 + 1)

      z = jnp.zeros((16,), jnp.float32)
      st = lax.fori_loop(
          0, _QUARTER, jbody,
          (z, z, z, z,
           rbase, rbase + _QUARTER, rbase + 2 * _QUARTER, rbase + 3 * _QUARTER),
          unroll=5)
      acc = (st[0] + st[1]) + (st[2] + st[3])
      off = pl.multiple_of(k * _CHUNK_ROWS + g * 16, 16)
      out_v[pl.ds(off, 16)] = acc + en_v[pl.ds(off, 16)]
      return carry

    lax.fori_loop(0, _GROUPS_PER_CHUNK, group_body, 0)

  pltpu.sync_copy(out_v, out_hbm.at[pl.ds(row0, _ROWS_PER_W)])


def _tc_copy_body(x_ref, o_ref):
  o_ref[...] = x_ref[...]


@jax.jit
def _shifted(species, energies, self_energies):
  mesh = plsc.VectorSubcoreMesh(core_axis_name="c", subcore_axis_name="s")
  sc_fn = pl.kernel(
      _sc_body,
      out_type=jax.ShapeDtypeStruct((_N_ROWS,), jnp.float32),
      mesh=mesh,
      compiler_params=pltpu.CompilerParams(needs_layout_passes=False),
      scratch_types=[
          pltpu.VMEM((_CHUNK_ROWS * _N_ATOMS,), jnp.int32),
          pltpu.VMEM((_CHUNK_ROWS * _N_ATOMS,), jnp.int32),
          pltpu.VMEM((_ROWS_PER_W,), jnp.float32),
          pltpu.VMEM((_ROWS_PER_W,), jnp.float32),
          pltpu.VMEM((10,), jnp.float32),
          pltpu.SemaphoreType.DMA,
          pltpu.SemaphoreType.DMA,
      ],
  )
  flat = species.reshape(-1)
  out_en = sc_fn(flat, energies, self_energies)

  spec2d = flat.reshape(1600, 2048)
  copied = pl.pallas_call(
      _tc_copy_body,
      grid=(8,),
      in_specs=[pl.BlockSpec((200, 2048), lambda i: (i, 0))],
      out_specs=pl.BlockSpec((200, 2048), lambda i: (i, 0)),
      out_shape=jax.ShapeDtypeStruct((1600, 2048), jnp.int32),
  )(spec2d)
  return copied.reshape(_N_ROWS, _N_ATOMS), out_en


def kernel(species, energies, self_energies):
  copied, out = _shifted(species.astype(jnp.int32), energies, self_energies)
  return (copied.astype(species.dtype), out.astype(energies.dtype))

# --- scband reference (transcript-rebuilt; emitter-appended) ---
"""Pipeline reference for scband-energy-shifter-12094627905839 (READ-ONLY COPY).

The authoritative reference and input builder live on the scoring server;
editing this copy changes nothing except your own understanding.
"""

import jax, jax.numpy as jnp
import numpy as np

SELF_ENERGIES = [-0.600953, -38.08316, -54.707756, -75.194466, -99.80631, -0.499321, -37.845, -54.583861, -75.064579, -99.624472]


def setup_inputs(seed: int = 0) -> dict:
    key = jax.random.key(seed)
    k1, k2 = jax.random.split(key)
    species = jax.random.randint(k1, (16384, 200), 0, 10, dtype=jnp.int64 if jax.config.read('jax_enable_x64') else jnp.int32)
    energies = jax.random.normal(k2, (16384,), dtype=jnp.float32)
    self_energies = jnp.asarray(SELF_ENERGIES, dtype=jnp.float32)
    return {"species": species, "energies": energies, "self_energies": self_energies}


def _sae(self_energies, species):
    # Gather per-atom self energies; padding atoms (species == -1) excluded.
    idx = jnp.where(species == -1, 0, species)
    per_atom = jnp.take(self_energies, idx, axis=0)
    per_atom = jnp.where(species == -1, jnp.zeros_like(per_atom), per_atom)
    return per_atom.sum(axis=1)


def reference(species, energies, self_energies):
    sae = _sae(self_energies, species).astype(energies.dtype)
    return (species, energies + sae)

if __name__ == "__main__":
    import jax
    _d = setup_inputs()
    print(jax.jit(kernel)(*tuple(_d.values())))

</pallas_src>

<mosaic_0001>
#map = affine_map<(d0, d1) -> (0)>
module attributes {stable_mosaic.version = 14 : i64} {
  func.func @_sc_body(%arg0: i32, %arg1: i32, %arg2: memref<3276800xi32, #tpu.memory_space<hbm>>, %arg3: memref<16384xf32, #tpu.memory_space<hbm>>, %arg4: memref<10xf32, #tpu.memory_space<hbm>>, %arg5: memref<16384xf32, #tpu.memory_space<hbm>>, %arg6: memref<25600xi32, #tpu.memory_space<vmem>>, %arg7: memref<25600xi32, #tpu.memory_space<vmem>>, %arg8: memref<512xf32, #tpu.memory_space<vmem>>, %arg9: memref<512xf32, #tpu.memory_space<vmem>>, %arg10: memref<10xf32, #tpu.memory_space<vmem>>, %arg11: memref<!tpu.dma_semaphore, #tpu.memory_space<semaphore_mem>>, %arg12: memref<!tpu.dma_semaphore, #tpu.memory_space<semaphore_mem>>) attributes {dimension_semantics = [#tpu.dimension_semantics<core_parallel>, #tpu.dimension_semantics<subcore_parallel>], iteration_bounds = array<i64: 2, 16>, scalar_prefetch = 0 : i64, scratch_operands = 7 : i64, tpu.core_type = #tpu.core_type<sc_vector_subcore>, window_params = [{transform_indices = #map}, {transform_indices = #map}, {transform_indices = #map}, {transform_indices = #map}]} {
    %mul3A = arith.constant 2 : i32
    %mul3A_0 = arith.muli %arg1, %mul3A : i32
    %add3A = arith.addi %mul3A_0, %arg0 : i32
    %mul3A_1 = arith.constant 512 : i32
    %mul3A_2 = arith.muli %add3A, %mul3A_1 : i32
    "tpu.region"() ({
      %run_scoped3A = tpu.sem_alloc : memref<!tpu.dma_semaphore, #tpu.memory_space<semaphore_mem>>
      tpu.enqueue_dma source(%arg4 : memref<10xf32, #tpu.memory_space<hbm>>) target(%arg10 : memref<10xf32, #tpu.memory_space<vmem>>) target_semaphore(%run_scoped3A : memref<!tpu.dma_semaphore, #tpu.memory_space<semaphore_mem>>)
      tpu.wait_dma2 semaphore(%run_scoped3A : memref<!tpu.dma_semaphore, #tpu.memory_space<semaphore_mem>>) src(%arg4 : memref<10xf32, #tpu.memory_space<hbm>>) dst(%arg10 : memref<10xf32, #tpu.memory_space<vmem>>)
      tpu.yield
    }) : () -> ()
    "tpu.region"() ({
      %run_scoped3A = tpu.sem_alloc : memref<!tpu.dma_semaphore, #tpu.memory_space<semaphore_mem>>
      %dma_start3A_56 = tpu.memref_slice %arg3[%mul3A_2] : memref<16384xf32, #tpu.memory_space<hbm>> -> memref<512xf32, #tpu.memory_space<hbm>>
      %dma_start3A_57 = tpu.memref_slice %arg3[%mul3A_2] : memref<16384xf32, #tpu.memory_space<hbm>> -> memref<512xf32, #tpu.memory_space<hbm>>
      tpu.enqueue_dma source(%dma_start3A_57 : memref<512xf32, #tpu.memory_space<hbm>>) target(%arg8 : memref<512xf32, #tpu.memory_space<vmem>>) target_semaphore(%run_scoped3A : memref<!tpu.dma_semaphore, #tpu.memory_space<semaphore_mem>>)
      %dma_wait3A_58 = tpu.memref_slice %arg3[%mul3A_2] : memref<16384xf32, #tpu.memory_space<hbm>> -> memref<512xf32, #tpu.memory_space<hbm>>
      %dma_wait3A_59 = tpu.memref_slice %arg3[%mul3A_2] : memref<16384xf32, #tpu.memory_space<hbm>> -> memref<512xf32, #tpu.memory_space<hbm>>
      tpu.wait_dma2 semaphore(%run_scoped3A : memref<!tpu.dma_semaphore, #tpu.memory_space<semaphore_mem>>) src(%dma_wait3A_59 : memref<512xf32, #tpu.memory_space<hbm>>) dst(%arg8 : memref<512xf32, #tpu.memory_space<vmem>>)
      tpu.yield
    }) : () -> ()
    %iota3A = tpu.iota {dimensions = array<i32: 0>} : vector<16xi32>
    %add3A_3 = arith.constant 0 : i32
    %add3A_4 = arith.addi %mul3A_2, %add3A_3 : i32
    %mul3A_5 = arith.constant 200 : i32
    %mul3A_6 = arith.muli %add3A_4, %mul3A_5 : i32
    %dma_start3A = tpu.memref_slice %arg2[%mul3A_6] : memref<3276800xi32, #tpu.memory_space<hbm>> -> memref<25600xi32, #tpu.memory_space<hbm>>
    %dma_start3A_7 = tpu.memref_slice %arg2[%mul3A_6] : memref<3276800xi32, #tpu.memory_space<hbm>> -> memref<25600xi32, #tpu.memory_space<hbm>>
    tpu.enqueue_dma source(%dma_start3A_7 : memref<25600xi32, #tpu.memory_space<hbm>>) target(%arg6 : memref<25600xi32, #tpu.memory_space<vmem>>) target_semaphore(%arg11 : memref<!tpu.dma_semaphore, #tpu.memory_space<semaphore_mem>>)
    %dma_wait3A = tpu.memref_slice %arg2[%mul3A_6] : memref<3276800xi32, #tpu.memory_space<hbm>> -> memref<25600xi32, #tpu.memory_space<hbm>>
    %dma_wait3A_8 = tpu.memref_slice %arg2[%mul3A_6] : memref<3276800xi32, #tpu.memory_space<hbm>> -> memref<25600xi32, #tpu.memory_space<hbm>>
    tpu.wait_dma2 semaphore(%arg11 : memref<!tpu.dma_semaphore, #tpu.memory_space<semaphore_mem>>) src(%dma_wait3A_8 : memref<25600xi32, #tpu.memory_space<hbm>>) dst(%arg6 : memref<25600xi32, #tpu.memory_space<vmem>>)
    %add3A_9 = arith.constant 128 : i32
    %add3A_10 = arith.addi %mul3A_2, %add3A_9 : i32
    %mul3A_11 = arith.constant 200 : i32
    %mul3A_12 = arith.muli %add3A_10, %mul3A_11 : i32
    %dma_start3A_13 = tpu.memref_slice %arg2[%mul3A_12] : memref<3276800xi32, #tpu.memory_space<hbm>> -> memref<25600xi32, #tpu.memory_space<hbm>>
    %dma_start3A_14 = tpu.memref_slice %arg2[%mul3A_12] : memref<3276800xi32, #tpu.memory_space<hbm>> -> memref<25600xi32, #tpu.memory_space<hbm>>
    tpu.enqueue_dma source(%dma_start3A_14 : memref<25600xi32, #tpu.memory_space<hbm>>) target(%arg7 : memref<25600xi32, #tpu.memory_space<vmem>>) target_semaphore(%arg12 : memref<!tpu.dma_semaphore, #tpu.memory_space<semaphore_mem>>)
    %scan3A = arith.constant 0 : i32
    %scan3A_15 = arith.constant 0 : i32
    %scan3A_16 = arith.constant 8 : i32
    %scan3A_17 = arith.addi %scan3A_15, %scan3A_16 : i32
    %scan3A_18 = arith.constant 1 : i32
    scf.for %scan3A_56 = %scan3A_15 to %scan3A_17 step %scan3A_18  : i32 {
      %mul3A_57 = arith.constant 16 : i32
      %mul3A_58 = arith.muli %scan3A_56, %mul3A_57 : i32
      %add3A_59 = vector.broadcast %mul3A_58 : i32 to vector<16xi32>
      %add3A_60 = arith.addi %add3A_59, %iota3A : vector<16xi32>
      %mul3A_61 = arith.constant 200 : i32
      %mul3A_62 = vector.broadcast %mul3A_61 : i32 to vector<16xi32>
      %mul3A_63 = arith.muli %add3A_60, %mul3A_62 : vector<16xi32>
      %broadcast_in_dim3A = arith.constant 0.000000e+00 : f32
      %broadcast_in_dim3A_64 = vector.broadcast %broadcast_in_dim3A : f32 to vector<16xf32>
      %add3A_65 = arith.constant 50 : i32
      %add3A_66 = vector.broadcast %add3A_65 : i32 to vector<16xi32>
      %add3A_67 = arith.addi %mul3A_63, %add3A_66 : vector<16xi32>
      %add3A_68 = arith.constant 100 : i32
      %add3A_69 = vector.broadcast %add3A_68 : i32 to vector<16xi32>
      %add3A_70 = arith.addi %mul3A_63, %add3A_69 : vector<16xi32>
      %add3A_71 = arith.constant 150 : i32
      %add3A_72 = vector.broadcast %add3A_71 : i32 to vector<16xi32>
      %add3A_73 = arith.addi %mul3A_63, %add3A_72 : vector<16xi32>
      %scan3A_74 = arith.constant 0 : i32
      %scan3A_75 = arith.constant 50 : i32
      %scan3A_76 = arith.addi %scan3A_74, %scan3A_75 : i32
      %scan3A_77 = arith.constant 5 : i32
      %scan3A_78:8 = scf.for %scan3A_90 = %scan3A_74 to %scan3A_76 step %scan3A_77 iter_args(%scan3A_91 = %broadcast_in_dim3A_64, %scan3A_92 = %broadcast_in_dim3A_64, %scan3A_93 = %broadcast_in_dim3A_64, %scan3A_94 = %broadcast_in_dim3A_64, %scan3A_95 = %mul3A_63, %scan3A_96 = %add3A_67, %scan3A_97 = %add3A_70, %scan3A_98 = %add3A_73) -> (vector<16xf32>, vector<16xf32>, vector<16xf32>, vector<16xf32>, vector<16xi32>, vector<16xi32>, vector<16xi32>, vector<16xi32>)  : i32 {
        %gather3A = tpu.vector_load_idx %arg6[%scan3A_95] : memref<25600xi32, #tpu.memory_space<vmem>>[vector<16xi32>], vector<16xi32>,
        %gather3A_99 = tpu.vector_load_idx %arg10[%gather3A] : memref<10xf32, #tpu.memory_space<vmem>>[vector<16xi32>], vector<16xf32>,
        %add3A_100 = arith.addf %scan3A_91, %gather3A_99 : vector<16xf32>
        %gather3A_101 = tpu.vector_load_idx %arg6[%scan3A_96] : memref<25600xi32, #tpu.memory_space<vmem>>[vector<16xi32>], vector<16xi32>,
        %gather3A_102 = tpu.vector_load_idx %arg10[%gather3A_101] : memref<10xf32, #tpu.memory_space<vmem>>[vector<16xi32>], vector<16xf32>,
        %add3A_103 = arith.addf %scan3A_92, %gather3A_102 : vector<16xf32>
        %gather3A_104 = tpu.vector_load_idx %arg6[%scan3A_97] : memref<25600xi32, #tpu.memory_space<vmem>>[vector<16xi32>], vector<16xi32>,
        %gather3A_105 = tpu.vector_load_idx %arg10[%gather3A_104] : memref<10xf32, #tpu.memory_space<vmem>>[vector<16xi32>], vector<16xf32>,
        %add3A_106 = arith.addf %scan3A_93, %gather3A_105 : vector<16xf32>
        %gather3A_107 = tpu.vector_load_idx %arg6[%scan3A_98] : memref<25600xi32, #tpu.memory_space<vmem>>[vector<16xi32>], vector<16xi32>,
        %gather3A_108 = tpu.vector_load_idx %arg10[%gather3A_107] : memref<10xf32, #tpu.memory_space<vmem>>[vector<16xi32>], vector<16xf32>,
        %add3A_109 = arith.addf %scan3A_94, %gather3A_108 : vector<16xf32>
        %add3A_110 = arith.constant 1 : i32
        %add3A_111 = vector.broadcast %add3A_110 : i32 to vector<16xi32>
        %add3A_112 = arith.addi %scan3A_95, %add3A_111 : vector<16xi32>
        %add3A_113 = arith.constant 1 : i32
        %add3A_114 = vector.broadcast %add3A_113 : i32 to vector<16xi32>
        %add3A_115 = arith.addi %scan3A_96, %add3A_114 : vector<16xi32>
        %add3A_116 = arith.constant 1 : i32
        %add3A_117 = vector.broadcast %add3A_116 : i32 to vector<16xi32>
        %add3A_118 = arith.addi %scan3A_97, %add3A_117 : vector<16xi32>
        %add3A_119 = arith.constant 1 : i32
        %add3A_120 = vector.broadcast %add3A_119 : i32 to vector<16xi32>
        %add3A_121 = arith.addi %scan3A_98, %add3A_120 : vector<16xi32>
        %scan3A_122 = arith.constant 1 : i32
        %scan3A_123 = arith.addi %scan3A_90, %scan3A_122 : i32
        %gather3A_124 = tpu.vector_load_idx %arg6[%add3A_112] : memref<25600xi32, #tpu.memory_space<vmem>>[vector<16xi32>], vector<16xi32>,
        %gather3A_125 = tpu.vector_load_idx %arg10[%gather3A_124] : memref<10xf32, #tpu.memory_space<vmem>>[vector<16xi32>], vector<16xf32>,
        %add3A_126 = arith.addf %add3A_100, %gather3A_125 : vector<16xf32>
        %gather3A_127 = tpu.vector_load_idx %arg6[%add3A_115] : memref<25600xi32, #tpu.memory_space<vmem>>[vector<16xi32>], vector<16xi32>,
        %gather3A_128 = tpu.vector_load_idx %arg10[%gather3A_127] : memref<10xf32, #tpu.memory_space<vmem>>[vector<16xi32>], vector<16xf32>,
        %add3A_129 = arith.addf %add3A_103, %gather3A_128 : vector<16xf32>
        %gather3A_130 = tpu.vector_load_idx %arg6[%add3A_118] : memref<25600xi32, #tpu.memory_space<vmem>>[vector<16xi32>], vector<16xi32>,
        %gather3A_131 = tpu.vector_load_idx %arg10[%gather3A_130] : memref<10xf32, #tpu.memory_space<vmem>>[vector<16xi32>], vector<16xf32>,
        %add3A_132 = arith.addf %add3A_106, %gather3A_131 : vector<16xf32>
        %gather3A_133 = tpu.vector_load_idx %arg6[%add3A_121] : memref<25600xi32, #tpu.memory_space<vmem>>[vector<16xi32>], vector<16xi32>,
        %gather3A_134 = tpu.vector_load_idx %arg10[%gather3A_133] : memref<10xf32, #tpu.memory_space<vmem>>[vector<16xi32>], vector<16xf32>,
        %add3A_135 = arith.addf %add3A_109, %gather3A_134 : vector<16xf32>
        %add3A_136 = arith.constant 1 : i32
        %add3A_137 = vector.broadcast %add3A_136 : i32 to vector<16xi32>
        %add3A_138 = arith.addi %add3A_112, %add3A_137 : vector<16xi32>
        %add3A_139 = arith.constant 1 : i32
        %add3A_140 = vector.broadcast %add3A_139 : i32 to vector<16xi32>
        %add3A_141 = arith.addi %add3A_115, %add3A_140 : vector<16xi32>
        %add3A_142 = arith.constant 1 : i32
        %add3A_143 = vector.broadcast %add3A_142 : i32 to vector<16xi32>
        %add3A_144 = arith.addi %add3A_118, %add3A_143 : vector<16xi32>
        %add3A_145 = arith.constant 1 : i32
        %add3A_146 = vector.broadcast %add3A_145 : i32 to vector<16xi32>
        %add3A_147 = arith.addi %add3A_121, %add3A_146 : vector<16xi32>
        %scan3A_148 = arith.constant 2 : i32
        %scan3A_149 = arith.addi %scan3A_90, %scan3A_148 : i32
        %gather3A_150 = tpu.vector_load_idx %arg6[%add3A_138] : memref<25600xi32, #tpu.memory_space<vmem>>[vector<16xi32>], vector<16xi32>,
        %gather3A_151 = tpu.vector_load_idx %arg10[%gather3A_150] : memref<10xf32, #tpu.memory_space<vmem>>[vector<16xi32>], vector<16xf32>,
        %add3A_152 = arith.addf %add3A_126, %gather3A_151 : vector<16xf32>
        %gather3A_153 = tpu.vector_load_idx %arg6[%add3A_141] : memref<25600xi32, #tpu.memory_space<vmem>>[vector<16xi32>], vector<16xi32>,
        %gather3A_154 = tpu.vector_load_idx %arg10[%gather3A_153] : memref<10xf32, #tpu.memory_space<vmem>>[vector<16xi32>], vector<16xf32>,
        %add3A_155 = arith.addf %add3A_129, %gather3A_154 : vector<16xf32>
        %gather3A_156 = tpu.vector_load_idx %arg6[%add3A_144] : memref<25600xi32, #tpu.memory_space<vmem>>[vector<16xi32>], vector<16xi32>,
        %gather3A_157 = tpu.vector_load_idx %arg10[%gather3A_156] : memref<10xf32, #tpu.memory_space<vmem>>[vector<16xi32>], vector<16xf32>,
        %add3A_158 = arith.addf %add3A_132, %gather3A_157 : vector<16xf32>
        %gather3A_159 = tpu.vector_load_idx %arg6[%add3A_147] : memref<25600xi32, #tpu.memory_space<vmem>>[vector<16xi32>], vector<16xi32>,
        %gather3A_160 = tpu.vector_load_idx %arg10[%gather3A_159] : memref<10xf32, #tpu.memory_space<vmem>>[vector<16xi32>], vector<16xf32>,
        %add3A_161 = arith.addf %add3A_135, %gather3A_160 : vector<16xf32>
        %add3A_162 = arith.constant 1 : i32
        %add3A_163 = vector.broadcast %add3A_162 : i32 to vector<16xi32>
        %add3A_164 = arith.addi %add3A_138, %add3A_163 : vector<16xi32>
        %add3A_165 = arith.constant 1 : i32
        %add3A_166 = vector.broadcast %add3A_165 : i32 to vector<16xi32>
        %add3A_167 = arith.addi %add3A_141, %add3A_166 : vector<16xi32>
        %add3A_168 = arith.constant 1 : i32
        %add3A_169 = vector.broadcast %add3A_168 : i32 to vector<16xi32>
        %add3A_170 = arith.addi %add3A_144, %add3A_169 : vector<16xi32>
        %add3A_171 = arith.constant 1 : i32
        %add3A_172 = vector.broadcast %add3A_171 : i32 to vector<16xi32>
        %add3A_173 = arith.addi %add3A_147, %add3A_172 : vector<16xi32>
        %scan3A_174 = arith.constant 3 : i32
        %scan3A_175 = arith.addi %scan3A_90, %scan3A_174 : i32
        %gather3A_176 = tpu.vector_load_idx %arg6[%add3A_164] : memref<25600xi32, #tpu.memory_space<vmem>>[vector<16xi32>], vector<16xi32>,
        %gather3A_177 = tpu.vector_load_idx %arg10[%gather3A_176] : memref<10xf32, #tpu.memory_space<vmem>>[vector<16xi32>], vector<16xf32>,
        %add3A_178 = arith.addf %add3A_152, %gather3A_177 : vector<16xf32>
        %gather3A_179 = tpu.vector_load_idx %arg6[%add3A_167] : memref<25600xi32, #tpu.memory_space<vmem>>[vector<16xi32>], vector<16xi32>,
        %gather3A_180 = tpu.vector_load_idx %arg10[%gather3A_179] : memref<10xf32, #tpu.memory_space<vmem>>[vector<16xi32>], vector<16xf32>,
        %add3A_181 = arith.addf %add3A_155, %gather3A_180 : vector<16xf32>
        %gather3A_182 = tpu.vector_load_idx %arg6[%add3A_170] : memref<25600xi32, #tpu.memory_space<vmem>>[vector<16xi32>], vector<16xi32>,
        %gather3A_183 = tpu.vector_load_idx %arg10[%gather3A_182] : memref<10xf32, #tpu.memory_space<vmem>>[vector<16xi32>], vector<16xf32>,
        %add3A_184 = arith.addf %add3A_158, %gather3A_183 : vector<16xf32>
        %gather3A_185 = tpu.vector_load_idx %arg6[%add3A_173] : memref<25600xi32, #tpu.memory_space<vmem>>[vector<16xi32>], vector<16xi32>,
        %gather3A_186 = tpu.vector_load_idx %arg10[%gather3A_185] : memref<10xf32, #tpu.memory_space<vmem>>[vector<16xi32>], vector<16xf32>,
        %add3A_187 = arith.addf %add3A_161, %gather3A_186 : vector<16xf32>
        %add3A_188 = arith.constant 1 : i32
        %add3A_189 = vector.broadcast %add3A_188 : i32 to vector<16xi32>
        %add3A_190 = arith.addi %add3A_164, %add3A_189 : vector<16xi32>
        %add3A_191 = arith.constant 1 : i32
        %add3A_192 = vector.broadcast %add3A_191 : i32 to vector<16xi32>
        %add3A_193 = arith.addi %add3A_167, %add3A_192 : vector<16xi32>
        %add3A_194 = arith.constant 1 : i32
        %add3A_195 = vector.broadcast %add3A_194 : i32 to vector<16xi32>
        %add3A_196 = arith.addi %add3A_170, %add3A_195 : vector<16xi32>
        %add3A_197 = arith.constant 1 : i32
        %add3A_198 = vector.broadcast %add3A_197 : i32 to vector<16xi32>
        %add3A_199 = arith.addi %add3A_173, %add3A_198 : vector<16xi32>
        %scan3A_200 = arith.constant 4 : i32
        %scan3A_201 = arith.addi %scan3A_90, %scan3A_200 : i32
        %gather3A_202 = tpu.vector_load_idx %arg6[%add3A_190] : memref<25600xi32, #tpu.memory_space<vmem>>[vector<16xi32>], vector<16xi32>,
        %gather3A_203 = tpu.vector_load_idx %arg10[%gather3A_202] : memref<10xf32, #tpu.memory_space<vmem>>[vector<16xi32>], vector<16xf32>,
        %add3A_204 = arith.addf %add3A_178, %gather3A_203 : vector<16xf32>
        %gather3A_205 = tpu.vector_load_idx %arg6[%add3A_193] : memref<25600xi32, #tpu.memory_space<vmem>>[vector<16xi32>], vector<16xi32>,
        %gather3A_206 = tpu.vector_load_idx %arg10[%gather3A_205] : memref<10xf32, #tpu.memory_space<vmem>>[vector<16xi32>], vector<16xf32>,
        %add3A_207 = arith.addf %add3A_181, %gather3A_206 : vector<16xf32>
        %gather3A_208 = tpu.vector_load_idx %arg6[%add3A_196] : memref<25600xi32, #tpu.memory_space<vmem>>[vector<16xi32>], vector<16xi32>,
        %gather3A_209 = tpu.vector_load_idx %arg10[%gather3A_208] : memref<10xf32, #tpu.memory_space<vmem>>[vector<16xi32>], vector<16xf32>,
        %add3A_210 = arith.addf %add3A_184, %gather3A_209 : vector<16xf32>
        %gather3A_211 = tpu.vector_load_idx %arg6[%add3A_199] : memref<25600xi32, #tpu.memory_space<vmem>>[vector<16xi32>], vector<16xi32>,
        %gather3A_212 = tpu.vector_load_idx %arg10[%gather3A_211] : memref<10xf32, #tpu.memory_space<vmem>>[vector<16xi32>], vector<16xf32>,
        %add3A_213 = arith.addf %add3A_187, %gather3A_212 : vector<16xf32>
        %add3A_214 = arith.constant 1 : i32
        %add3A_215 = vector.broadcast %add3A_214 : i32 to vector<16xi32>
        %add3A_216 = arith.addi %add3A_190, %add3A_215 : vector<16xi32>
        %add3A_217 = arith.constant 1 : i32
        %add3A_218 = vector.broadcast %add3A_217 : i32 to vector<16xi32>
        %add3A_219 = arith.addi %add3A_193, %add3A_218 : vector<16xi32>
        %add3A_220 = arith.constant 1 : i32
        %add3A_221 = vector.broadcast %add3A_220 : i32 to vector<16xi32>
        %add3A_222 = arith.addi %add3A_196, %add3A_221 : vector<16xi32>
        %add3A_223 = arith.constant 1 : i32
        %add3A_224 = vector.broadcast %add3A_223 : i32 to vector<16xi32>
        %add3A_225 = arith.addi %add3A_199, %add3A_224 : vector<16xi32>
        scf.yield %add3A_204, %add3A_207, %add3A_210, %add3A_213, %add3A_216, %add3A_219, %add3A_222, %add3A_225 : vector<16xf32>, vector<16xf32>, vector<16xf32>, vector<16xf32>, vector<16xi32>, vector<16xi32>, vector<16xi32>, vector<16xi32>
      }
      %scan3A_79 = arith.constant 50 : i32
      %add3A_80 = arith.addf %scan3A_78#0, %scan3A_78#1 : vector<16xf32>
      %add3A_81 = arith.addf %scan3A_78#2, %scan3A_78#3 : vector<16xf32>
      %add3A_82 = arith.addf %add3A_80, %add3A_81 : vector<16xf32>
      %mul3A_83 = arith.constant 16 : i32
      %mul3A_84 = arith.muli %scan3A_56, %mul3A_83 : i32
      %add3A_85 = arith.constant 0 : i32
      %add3A_86 = arith.addi %add3A_85, %mul3A_84 : i32
      %multiple_of3A = tpu.assume_multiple %add3A_86, 16 : i32
      %get3A = arith.index_cast %multiple_of3A : i32 to index
      %get3A_87 = tpu.vector_load %arg8[%get3A] {strides = array<i32>} : memref<512xf32, #tpu.memory_space<vmem>>, vector<16xf32>,
      %add3A_88 = arith.addf %add3A_82, %get3A_87 : vector<16xf32>
      %swap3A = arith.index_cast %multiple_of3A : i32 to index
      %swap3A_89 = tpu.vector_load %arg9[%swap3A] {strides = array<i32>} : memref<512xf32, #tpu.memory_space<vmem>>, vector<16xf32>,
      tpu.vector_store %arg9[%swap3A], %add3A_88 {strides = array<i32>} : memref<512xf32, #tpu.memory_space<vmem>>, vector<16xf32>,
    }
    %scan3A_19 = arith.constant 8 : i32
    %dma_wait3A_20 = tpu.memref_slice %arg2[%mul3A_12] : memref<3276800xi32, #tpu.memory_space<hbm>> -> memref<25600xi32, #tpu.memory_space<hbm>>
    %dma_wait3A_21 = tpu.memref_slice %arg2[%mul3A_12] : memref<3276800xi32, #tpu.memory_space<hbm>> -> memref<25600xi32, #tpu.memory_space<hbm>>
    tpu.wait_dma2 semaphore(%arg12 : memref<!tpu.dma_semaphore, #tpu.memory_space<semaphore_mem>>) src(%dma_wait3A_21 : memref<25600xi32, #tpu.memory_space<hbm>>) dst(%arg7 : memref<25600xi32, #tpu.memory_space<vmem>>)
    %add3A_22 = arith.constant 256 : i32
    %add3A_23 = arith.addi %mul3A_2, %add3A_22 : i32
    %mul3A_24 = arith.constant 200 : i32
    %mul3A_25 = arith.muli %add3A_23, %mul3A_24 : i32
    %dma_start3A_26 = tpu.memref_slice %arg2[%mul3A_25] : memref<3276800xi32, #tpu.memory_space<hbm>> -> memref<25600xi32, #tpu.memory_space<hbm>>
    %dma_start3A_27 = tpu.memref_slice %arg2[%mul3A_25] : memref<3276800xi32, #tpu.memory_space<hbm>> -> memref<25600xi32, #tpu.memory_space<hbm>>
    tpu.enqueue_dma source(%dma_start3A_27 : memref<25600xi32, #tpu.memory_space<hbm>>) target(%arg6 : memref<25600xi32, #tpu.memory_space<vmem>>) target_semaphore(%arg11 : memref<!tpu.dma_semaphore, #tpu.memory_space<semaphore_mem>>)
    %scan3A_28 = arith.constant 0 : i32
    %scan3A_29 = arith.constant 0 : i32
    %scan3A_30 = arith.constant 8 : i32
    %scan3A_31 = arith.addi %scan3A_29, %scan3A_30 : i32
    %scan3A_32 = arith.constant 1 : i32
    scf.for %scan3A_56 = %scan3A_29 to %scan3A_31 step %scan3A_32  : i32 {
      %mul3A_57 = arith.constant 16 : i32
      %mul3A_58 = arith.muli %scan3A_56, %mul3A_57 : i32
      %add3A_59 = vector.broadcast %mul3A_58 : i32 to vector<16xi32>
      %add3A_60 = arith.addi %add3A_59, %iota3A : vector<16xi32>
      %mul3A_61 = arith.constant 200 : i32
      %mul3A_62 = vector.broadcast %mul3A_61 : i32 to vector<16xi32>
      %mul3A_63 = arith.muli %add3A_60, %mul3A_62 : vector<16xi32>
      %broadcast_in_dim3A = arith.constant 0.000000e+00 : f32
      %broadcast_in_dim3A_64 = vector.broadcast %broadcast_in_dim3A : f32 to vector<16xf32>
      %add3A_65 = arith.constant 50 : i32
      %add3A_66 = vector.broadcast %add3A_65 : i32 to vector<16xi32>
      %add3A_67 = arith.addi %mul3A_63, %add3A_66 : vector<16xi32>
      %add3A_68 = arith.constant 100 : i32
      %add3A_69 = vector.broadcast %add3A_68 : i32 to vector<16xi32>
      %add3A_70 = arith.addi %mul3A_63, %add3A_69 : vector<16xi32>
      %add3A_71 = arith.constant 150 : i32
      %add3A_72 = vector.broadcast %add3A_71 : i32 to vector<16xi32>
      %add3A_73 = arith.addi %mul3A_63, %add3A_72 : vector<16xi32>
      %scan3A_74 = arith.constant 0 : i32
      %scan3A_75 = arith.constant 50 : i32
      %scan3A_76 = arith.addi %scan3A_74, %scan3A_75 : i32
      %scan3A_77 = arith.constant 5 : i32
      %scan3A_78:8 = scf.for %scan3A_90 = %scan3A_74 to %scan3A_76 step %scan3A_77 iter_args(%scan3A_91 = %broadcast_in_dim3A_64, %scan3A_92 = %broadcast_in_dim3A_64, %scan3A_93 = %broadcast_in_dim3A_64, %scan3A_94 = %broadcast_in_dim3A_64, %scan3A_95 = %mul3A_63, %scan3A_96 = %add3A_67, %scan3A_97 = %add3A_70, %scan3A_98 = %add3A_73) -> (vector<16xf32>, vector<16xf32>, vector<16xf32>, vector<16xf32>, vector<16xi32>, vector<16xi32>, vector<16xi32>, vector<16xi32>)  : i32 {
        %gather3A = tpu.vector_load_idx %arg7[%scan3A_95] : memref<25600xi32, #tpu.memory_space<vmem>>[vector<16xi32>], vector<16xi32>,
        %gather3A_99 = tpu.vector_load_idx %arg10[%gather3A] : memref<10xf32, #tpu.memory_space<vmem>>[vector<16xi32>], vector<16xf32>,
        %add3A_100 = arith.addf %scan3A_91, %gather3A_99 : vector<16xf32>
        %gather3A_101 = tpu.vector_load_idx %arg7[%scan3A_96] : memref<25600xi32, #tpu.memory_space<vmem>>[vector<16xi32>], vector<16xi32>,
        %gather3A_102 = tpu.vector_load_idx %arg10[%gather3A_101] : memref<10xf32, #tpu.memory_space<vmem>>[vector<16xi32>], vector<16xf32>,
        %add3A_103 = arith.addf %scan3A_92, %gather3A_102 : vector<16xf32>
        %gather3A_104 = tpu.vector_load_idx %arg7[%scan3A_97] : memref<25600xi32, #tpu.memory_space<vmem>>[vector<16xi32>], vector<16xi32>,
        %gather3A_105 = tpu.vector_load_idx %arg10[%gather3A_104] : memref<10xf32, #tpu.memory_space<vmem>>[vector<16xi32>], vector<16xf32>,
        %add3A_106 = arith.addf %scan3A_93, %gather3A_105 : vector<16xf32>
        %gather3A_107 = tpu.vector_load_idx %arg7[%scan3A_98] : memref<25600xi32, #tpu.memory_space<vmem>>[vector<16xi32>], vector<16xi32>,
        %gather3A_108 = tpu.vector_load_idx %arg10[%gather3A_107] : memref<10xf32, #tpu.memory_space<vmem>>[vector<16xi32>], vector<16xf32>,
        %add3A_109 = arith.addf %scan3A_94, %gather3A_108 : vector<16xf32>
        %add3A_110 = arith.constant 1 : i32
        %add3A_111 = vector.broadcast %add3A_110 : i32 to vector<16xi32>
        %add3A_112 = arith.addi %scan3A_95, %add3A_111 : vector<16xi32>
        %add3A_113 = arith.constant 1 : i32
        %add3A_114 = vector.broadcast %add3A_113 : i32 to vector<16xi32>
        %add3A_115 = arith.addi %scan3A_96, %add3A_114 : vector<16xi32>
        %add3A_116 = arith.constant 1 : i32
        %add3A_117 = vector.broadcast %add3A_116 : i32 to vector<16xi32>
        %add3A_118 = arith.addi %scan3A_97, %add3A_117 : vector<16xi32>
        %add3A_119 = arith.constant 1 : i32
        %add3A_120 = vector.broadcast %add3A_119 : i32 to vector<16xi32>
        %add3A_121 = arith.addi %scan3A_98, %add3A_120 : vector<16xi32>
        %scan3A_122 = arith.constant 1 : i32
        %scan3A_123 = arith.addi %scan3A_90, %scan3A_122 : i32
        %gather3A_124 = tpu.vector_load_idx %arg7[%add3A_112] : memref<25600xi32, #tpu.memory_space<vmem>>[vector<16xi32>], vector<16xi32>,
        %gather3A_125 = tpu.vector_load_idx %arg10[%gather3A_124] : memref<10xf32, #tpu.memory_space<vmem>>[vector<16xi32>], vector<16xf32>,
        %add3A_126 = arith.addf %add3A_100, %gather3A_125 : vector<16xf32>
        %gather3A_127 = tpu.vector_load_idx %arg7[%add3A_115] : memref<25600xi32, #tpu.memory_space<vmem>>[vector<16xi32>], vector<16xi32>,
        %gather3A_128 = tpu.vector_load_idx %arg10[%gather3A_127] : memref<10xf32, #tpu.memory_space<vmem>>[vector<16xi32>], vector<16xf32>,
        %add3A_129 = arith.addf %add3A_103, %gather3A_128 : vector<16xf32>
        %gather3A_130 = tpu.vector_load_idx %arg7[%add3A_118] : memref<25600xi32, #tpu.memory_space<vmem>>[vector<16xi32>], vector<16xi32>,
        %gather3A_131 = tpu.vector_load_idx %arg10[%gather3A_130] : memref<10xf32, #tpu.memory_space<vmem>>[vector<16xi32>], vector<16xf32>,
        %add3A_132 = arith.addf %add3A_106, %gather3A_131 : vector<16xf32>
        %gather3A_133 = tpu.vector_load_idx %arg7[%add3A_121] : memref<25600xi32, #tpu.memory_space<vmem>>[vector<16xi32>], vector<16xi32>,
        %gather3A_134 = tpu.vector_load_idx %arg10[%gather3A_133] : memref<10xf32, #tpu.memory_space<vmem>>[vector<16xi32>], vector<16xf32>,
        %add3A_135 = arith.addf %add3A_109, %gather3A_134 : vector<16xf32>
        %add3A_136 = arith.constant 1 : i32
        %add3A_137 = vector.broadcast %add3A_136 : i32 to vector<16xi32>
        %add3A_138 = arith.addi %add3A_112, %add3A_137 : vector<16xi32>
        %add3A_139 = arith.constant 1 : i32
        %add3A_140 = vector.broadcast %add3A_139 : i32 to vector<16xi32>
        %add3A_141 = arith.addi %add3A_115, %add3A_140 : vector<16xi32>
        %add3A_142 = arith.constant 1 : i32
        %add3A_143 = vector.broadcast %add3A_142 : i32 to vector<16xi32>
        %add3A_144 = arith.addi %add3A_118, %add3A_143 : vector<16xi32>
        %add3A_145 = arith.constant 1 : i32
        %add3A_146 = vector.broadcast %add3A_145 : i32 to vector<16xi32>
        %add3A_147 = arith.addi %add3A_121, %add3A_146 : vector<16xi32>
        %scan3A_148 = arith.constant 2 : i32
        %scan3A_149 = arith.addi %scan3A_90, %scan3A_148 : i32
        %gather3A_150 = tpu.vector_load_idx %arg7[%add3A_138] : memref<25600xi32, #tpu.memory_space<vmem>>[vector<16xi32>], vector<16xi32>,
        %gather3A_151 = tpu.vector_load_idx %arg10[%gather3A_150] : memref<10xf32, #tpu.memory_space<vmem>>[vector<16xi32>], vector<16xf32>,
        %add3A_152 = arith.addf %add3A_126, %gather3A_151 : vector<16xf32>
        %gather3A_153 = tpu.vector_load_idx %arg7[%add3A_141] : memref<25600xi32, #tpu.memory_space<vmem>>[vector<16xi32>], vector<16xi32>,
        %gather3A_154 = tpu.vector_load_idx %arg10[%gather3A_153] : memref<10xf32, #tpu.memory_space<vmem>>[vector<16xi32>], vector<16xf32>,
        %add3A_155 = arith.addf %add3A_129, %gather3A_154 : vector<16xf32>
        %gather3A_156 = tpu.vector_load_idx %arg7[%add3A_144] : memref<25600xi32, #tpu.memory_space<vmem>>[vector<16xi32>], vector<16xi32>,
        %gather3A_157 = tpu.vector_load_idx %arg10[%gather3A_156] : memref<10xf32, #tpu.memory_space<vmem>>[vector<16xi32>], vector<16xf32>,
        %add3A_158 = arith.addf %add3A_132, %gather3A_157 : vector<16xf32>
        %gather3A_159 = tpu.vector_load_idx %arg7[%add3A_147] : memref<25600xi32, #tpu.memory_space<vmem>>[vector<16xi32>], vector<16xi32>,
        %gather3A_160 = tpu.vector_load_idx %arg10[%gather3A_159] : memref<10xf32, #tpu.memory_space<vmem>>[vector<16xi32>], vector<16xf32>,
        %add3A_161 = arith.addf %add3A_135, %gather3A_160 : vector<16xf32>
        %add3A_162 = arith.constant 1 : i32
        %add3A_163 = vector.broadcast %add3A_162 : i32 to vector<16xi32>
        %add3A_164 = arith.addi %add3A_138, %add3A_163 : vector<16xi32>
        %add3A_165 = arith.constant 1 : i32
        %add3A_166 = vector.broadcast %add3A_165 : i32 to vector<16xi32>
        %add3A_167 = arith.addi %add3A_141, %add3A_166 : vector<16xi32>
        %add3A_168 = arith.constant 1 : i32
        %add3A_169 = vector.broadcast %add3A_168 : i32 to vector<16xi32>
        %add3A_170 = arith.addi %add3A_144, %add3A_169 : vector<16xi32>
        %add3A_171 = arith.constant 1 : i32
        %add3A_172 = vector.broadcast %add3A_171 : i32 to vector<16xi32>
        %add3A_173 = arith.addi %add3A_147, %add3A_172 : vector<16xi32>
        %scan3A_174 = arith.constant 3 : i32
        %scan3A_175 = arith.addi %scan3A_90, %scan3A_174 : i32
        %gather3A_176 = tpu.vector_load_idx %arg7[%add3A_164] : memref<25600xi32, #tpu.memory_space<vmem>>[vector<16xi32>], vector<16xi32>,
        %gather3A_177 = tpu.vector_load_idx %arg10[%gather3A_176] : memref<10xf32, #tpu.memory_space<vmem>>[vector<16xi32>], vector<16xf32>,
        %add3A_178 = arith.addf %add3A_152, %gather3A_177 : vector<16xf32>
        %gather3A_179 = tpu.vector_load_idx %arg7[%add3A_167] : memref<25600xi32, #tpu.memory_space<vmem>>[vector<16xi32>], vector<16xi32>,
        %gather3A_180 = tpu.vector_load_idx %arg10[%gather3A_179] : memref<10xf32, #tpu.memory_space<vmem>>[vector<16xi32>], vector<16xf32>,
        %add3A_181 = arith.addf %add3A_155, %gather3A_180 : vector<16xf32>
        %gather3A_182 = tpu.vector_load_idx %arg7[%add3A_170] : memref<25600xi32, #tpu.memory_space<vmem>>[vector<16xi32>], vector<16xi32>,
        %gather3A_183 = tpu.vector_load_idx %arg10[%gather3A_182] : memref<10xf32, #tpu.memory_space<vmem>>[vector<16xi32>], vector<16xf32>,
        %add3A_184 = arith.addf %add3A_158, %gather3A_183 : vector<16xf32>
        %gather3A_185 = tpu.vector_load_idx %arg7[%add3A_173] : memref<25600xi32, #tpu.memory_space<vmem>>[vector<16xi32>], vector<16xi32>,
        %gather3A_186 = tpu.vector_load_idx %arg10[%gather3A_185] : memref<10xf32, #tpu.memory_space<vmem>>[vector<16xi32>], vector<16xf32>,
        %add3A_187 = arith.addf %add3A_161, %gather3A_186 : vector<16xf32>
        %add3A_188 = arith.constant 1 : i32
        %add3A_189 = vector.broadcast %add3A_188 : i32 to vector<16xi32>
        %add3A_190 = arith.addi %add3A_164, %add3A_189 : vector<16xi32>
        %add3A_191 = arith.constant 1 : i32
        %add3A_192 = vector.broadcast %add3A_191 : i32 to vector<16xi32>
        %add3A_193 = arith.addi %add3A_167, %add3A_192 : vector<16xi32>
        %add3A_194 = arith.constant 1 : i32
        %add3A_195 = vector.broadcast %add3A_194 : i32 to vector<16xi32>
        %add3A_196 = arith.addi %add3A_170, %add3A_195 : vector<16xi32>
        %add3A_197 = arith.constant 1 : i32
        %add3A_198 = vector.broadcast %add3A_197 : i32 to vector<16xi32>
        %add3A_199 = arith.addi %add3A_173, %add3A_198 : vector<16xi32>
        %scan3A_200 = arith.constant 4 : i32
        %scan3A_201 = arith.addi %scan3A_90, %scan3A_200 : i32
        %gather3A_202 = tpu.vector_load_idx %arg7[%add3A_190] : memref<25600xi32, #tpu.memory_space<vmem>>[vector<16xi32>], vector<16xi32>,
        %gather3A_203 = tpu.vector_load_idx %arg10[%gather3A_202] : memref<10xf32, #tpu.memory_space<vmem>>[vector<16xi32>], vector<16xf32>,
        %add3A_204 = arith.addf %add3A_178, %gather3A_203 : vector<16xf32>
        %gather3A_205 = tpu.vector_load_idx %arg7[%add3A_193] : memref<25600xi32, #tpu.memory_space<vmem>>[vector<16xi32>], vector<16xi32>,
        %gather3A_206 = tpu.vector_load_idx %arg10[%gather3A_205] : memref<10xf32, #tpu.memory_space<vmem>>[vector<16xi32>], vector<16xf32>,
        %add3A_207 = arith.addf %add3A_181, %gather3A_206 : vector<16xf32>
        %gather3A_208 = tpu.vector_load_idx %arg7[%add3A_196] : memref<25600xi32, #tpu.memory_space<vmem>>[vector<16xi32>], vector<16xi32>,
        %gather3A_209 = tpu.vector_load_idx %arg10[%gather3A_208] : memref<10xf32, #tpu.memory_space<vmem>>[vector<16xi32>], vector<16xf32>,
        %add3A_210 = arith.addf %add3A_184, %gather3A_209 : vector<16xf32>
        %gather3A_211 = tpu.vector_load_idx %arg7[%add3A_199] : memref<25600xi32, #tpu.memory_space<vmem>>[vector<16xi32>], vector<16xi32>,
        %gather3A_212 = tpu.vector_load_idx %arg10[%gather3A_211] : memref<10xf32, #tpu.memory_space<vmem>>[vector<16xi32>], vector<16xf32>,
        %add3A_213 = arith.addf %add3A_187, %gather3A_212 : vector<16xf32>
        %add3A_214 = arith.constant 1 : i32
        %add3A_215 = vector.broadcast %add3A_214 : i32 to vector<16xi32>
        %add3A_216 = arith.addi %add3A_190, %add3A_215 : vector<16xi32>
        %add3A_217 = arith.constant 1 : i32
        %add3A_218 = vector.broadcast %add3A_217 : i32 to vector<16xi32>
        %add3A_219 = arith.addi %add3A_193, %add3A_218 : vector<16xi32>
        %add3A_220 = arith.constant 1 : i32
        %add3A_221 = vector.broadcast %add3A_220 : i32 to vector<16xi32>
        %add3A_222 = arith.addi %add3A_196, %add3A_221 : vector<16xi32>
        %add3A_223 = arith.constant 1 : i32
        %add3A_224 = vector.broadcast %add3A_223 : i32 to vector<16xi32>
        %add3A_225 = arith.addi %add3A_199, %add3A_224 : vector<16xi32>
        scf.yield %add3A_204, %add3A_207, %add3A_210, %add3A_213, %add3A_216, %add3A_219, %add3A_222, %add3A_225 : vector<16xf32>, vector<16xf32>, vector<16xf32>, vector<16xf32>, vector<16xi32>, vector<16xi32>, vector<16xi32>, vector<16xi32>
      }
      %scan3A_79 = arith.constant 50 : i32
      %add3A_80 = arith.addf %scan3A_78#0, %scan3A_78#1 : vector<16xf32>
      %add3A_81 = arith.addf %scan3A_78#2, %scan3A_78#3 : vector<16xf32>
      %add3A_82 = arith.addf %add3A_80, %add3A_81 : vector<16xf32>
      %mul3A_83 = arith.constant 16 : i32
      %mul3A_84 = arith.muli %scan3A_56, %mul3A_83 : i32
      %add3A_85 = arith.constant 128 : i32
      %add3A_86 = arith.addi %add3A_85, %mul3A_84 : i32
      %multiple_of3A = tpu.assume_multiple %add3A_86, 16 : i32
      %get3A = arith.index_cast %multiple_of3A : i32 to index
      %get3A_87 = tpu.vector_load %arg8[%get3A] {strides = array<i32>} : memref<512xf32, #tpu.memory_space<vmem>>, vector<16xf32>,
      %add3A_88 = arith.addf %add3A_82, %get3A_87 : vector<16xf32>
      %swap3A = arith.index_cast %multiple_of3A : i32 to index
      %swap3A_89 = tpu.vector_load %arg9[%swap3A] {strides = array<i32>} : memref<512xf32, #tpu.memory_space<vmem>>, vector<16xf32>,
      tpu.vector_store %arg9[%swap3A], %add3A_88 {strides = array<i32>} : memref<512xf32, #tpu.memory_space<vmem>>, vector<16xf32>,
    }
    %scan3A_33 = arith.constant 8 : i32
    %dma_wait3A_34 = tpu.memref_slice %arg2[%mul3A_25] : memref<3276800xi32, #tpu.memory_space<hbm>> -> memref<25600xi32, #tpu.memory_space<hbm>>
    %dma_wait3A_35 = tpu.memref_slice %arg2[%mul3A_25] : memref<3276800xi32, #tpu.memory_space<hbm>> -> memref<25600xi32, #tpu.memory_space<hbm>>
    tpu.wait_dma2 semaphore(%arg11 : memref<!tpu.dma_semaphore, #tpu.memory_space<semaphore_mem>>) src(%dma_wait3A_35 : memref<25600xi32, #tpu.memory_space<hbm>>) dst(%arg6 : memref<25600xi32, #tpu.memory_space<vmem>>)
    %add3A_36 = arith.constant 384 : i32
    %add3A_37 = arith.addi %mul3A_2, %add3A_36 : i32
    %mul3A_38 = arith.constant 200 : i32
    %mul3A_39 = arith.muli %add3A_37, %mul3A_38 : i32
    %dma_start3A_40 = tpu.memref_slice %arg2[%mul3A_39] : memref<3276800xi32, #tpu.memory_space<hbm>> -> memref<25600xi32, #tpu.memory_space<hbm>>
    %dma_start3A_41 = tpu.memref_slice %arg2[%mul3A_39] : memref<3276800xi32, #tpu.memory_space<hbm>> -> memref<25600xi32, #tpu.memory_space<hbm>>
    tpu.enqueue_dma source(%dma_start3A_41 : memref<25600xi32, #tpu.memory_space<hbm>>) target(%arg7 : memref<25600xi32, #tpu.memory_space<vmem>>) target_semaphore(%arg12 : memref<!tpu.dma_semaphore, #tpu.memory_space<semaphore_mem>>)
    %scan3A_42 = arith.constant 0 : i32
    %scan3A_43 = arith.constant 0 : i32
    %scan3A_44 = arith.constant 8 : i32
    %scan3A_45 = arith.addi %scan3A_43, %scan3A_44 : i32
    %scan3A_46 = arith.constant 1 : i32
    scf.for %scan3A_56 = %scan3A_43 to %scan3A_45 step %scan3A_46  : i32 {
      %mul3A_57 = arith.constant 16 : i32
      %mul3A_58 = arith.muli %scan3A_56, %mul3A_57 : i32
      %add3A_59 = vector.broadcast %mul3A_58 : i32 to vector<16xi32>
      %add3A_60 = arith.addi %add3A_59, %iota3A : vector<16xi32>
      %mul3A_61 = arith.constant 200 : i32
      %mul3A_62 = vector.broadcast %mul3A_61 : i32 to vector<16xi32>
      %mul3A_63 = arith.muli %add3A_60, %mul3A_62 : vector<16xi32>
      %broadcast_in_dim3A = arith.constant 0.000000e+00 : f32
      %broadcast_in_dim3A_64 = vector.broadcast %broadcast_in_dim3A : f32 to vector<16xf32>
      %add3A_65 = arith.constant 50 : i32
      %add3A_66 = vector.broadcast %add3A_65 : i32 to vector<16xi32>
      %add3A_67 = arith.addi %mul3A_63, %add3A_66 : vector<16xi32>
      %add3A_68 = arith.constant 100 : i32
      %add3A_69 = vector.broadcast %add3A_68 : i32 to vector<16xi32>
      %add3A_70 = arith.addi %mul3A_63, %add3A_69 : vector<16xi32>
      %add3A_71 = arith.constant 150 : i32
      %add3A_72 = vector.broadcast %add3A_71 : i32 to vector<16xi32>
      %add3A_73 = arith.addi %mul3A_63, %add3A_72 : vector<16xi32>
      %scan3A_74 = arith.constant 0 : i32
      %scan3A_75 = arith.constant 50 : i32
      %scan3A_76 = arith.addi %scan3A_74, %scan3A_75 : i32
      %scan3A_77 = arith.constant 5 : i32
      %scan3A_78:8 = scf.for %scan3A_90 = %scan3A_74 to %scan3A_76 step %scan3A_77 iter_args(%scan3A_91 = %broadcast_in_dim3A_64, %scan3A_92 = %broadcast_in_dim3A_64, %scan3A_93 = %broadcast_in_dim3A_64, %scan3A_94 = %broadcast_in_dim3A_64, %scan3A_95 = %mul3A_63, %scan3A_96 = %add3A_67, %scan3A_97 = %add3A_70, %scan3A_98 = %add3A_73) -> (vector<16xf32>, vector<16xf32>, vector<16xf32>, vector<16xf32>, vector<16xi32>, vector<16xi32>, vector<16xi32>, vector<16xi32>)  : i32 {
        %gather3A = tpu.vector_load_idx %arg6[%scan3A_95] : memref<25600xi32, #tpu.memory_space<vmem>>[vector<16xi32>], vector<16xi32>,
        %gather3A_99 = tpu.vector_load_idx %arg10[%gather3A] : memref<10xf32, #tpu.memory_space<vmem>>[vector<16xi32>], vector<16xf32>,
        %add3A_100 = arith.addf %scan3A_91, %gather3A_99 : vector<16xf32>
        %gather3A_101 = tpu.vector_load_idx %arg6[%scan3A_96] : memref<25600xi32, #tpu.memory_space<vmem>>[vector<16xi32>], vector<16xi32>,
        %gather3A_102 = tpu.vector_load_idx %arg10[%gather3A_101] : memref<10xf32, #tpu.memory_space<vmem>>[vector<16xi32>], vector<16xf32>,
        %add3A_103 = arith.addf %scan3A_92, %gather3A_102 : vector<16xf32>
        %gather3A_104 = tpu.vector_load_idx %arg6[%scan3A_97] : memref<25600xi32, #tpu.memory_space<vmem>>[vector<16xi32>], vector<16xi32>,
        %gather3A_105 = tpu.vector_load_idx %arg10[%gather3A_104] : memref<10xf32, #tpu.memory_space<vmem>>[vector<16xi32>], vector<16xf32>,
        %add3A_106 = arith.addf %scan3A_93, %gather3A_105 : vector<16xf32>
        %gather3A_107 = tpu.vector_load_idx %arg6[%scan3A_98] : memref<25600xi32, #tpu.memory_space<vmem>>[vector<16xi32>], vector<16xi32>,
        %gather3A_108 = tpu.vector_load_idx %arg10[%gather3A_107] : memref<10xf32, #tpu.memory_space<vmem>>[vector<16xi32>], vector<16xf32>,
        %add3A_109 = arith.addf %scan3A_94, %gather3A_108 : vector<16xf32>
        %add3A_110 = arith.constant 1 : i32
        %add3A_111 = vector.broadcast %add3A_110 : i32 to vector<16xi32>
        %add3A_112 = arith.addi %scan3A_95, %add3A_111 : vector<16xi32>
        %add3A_113 = arith.constant 1 : i32
        %add3A_114 = vector.broadcast %add3A_113 : i32 to vector<16xi32>
        %add3A_115 = arith.addi %scan3A_96, %add3A_114 : vector<16xi32>
        %add3A_116 = arith.constant 1 : i32
        %add3A_117 = vector.broadcast %add3A_116 : i32 to vector<16xi32>
        %add3A_118 = arith.addi %scan3A_97, %add3A_117 : vector<16xi32>
        %add3A_119 = arith.constant 1 : i32
        %add3A_120 = vector.broadcast %add3A_119 : i32 to vector<16xi32>
        %add3A_121 = arith.addi %scan3A_98, %add3A_120 : vector<16xi32>
        %scan3A_122 = arith.constant 1 : i32
        %scan3A_123 = arith.addi %scan3A_90, %scan3A_122 : i32
        %gather3A_124 = tpu.vector_load_idx %arg6[%add3A_112] : memref<25600xi32, #tpu.memory_space<vmem>>[vector<16xi32>], vector<16xi32>,
        %gather3A_125 = tpu.vector_load_idx %arg10[%gather3A_124] : memref<10xf32, #tpu.memory_space<vmem>>[vector<16xi32>], vector<16xf32>,
        %add3A_126 = arith.addf %add3A_100, %gather3A_125 : vector<16xf32>
        %gather3A_127 = tpu.vector_load_idx %arg6[%add3A_115] : memref<25600xi32, #tpu.memory_space<vmem>>[vector<16xi32>], vector<16xi32>,
        %gather3A_128 = tpu.vector_load_idx %arg10[%gather3A_127] : memref<10xf32, #tpu.memory_space<vmem>>[vector<16xi32>], vector<16xf32>,
        %add3A_129 = arith.addf %add3A_103, %gather3A_128 : vector<16xf32>
        %gather3A_130 = tpu.vector_load_idx %arg6[%add3A_118] : memref<25600xi32, #tpu.memory_space<vmem>>[vector<16xi32>], vector<16xi32>,
        %gather3A_131 = tpu.vector_load_idx %arg10[%gather3A_130] : memref<10xf32, #tpu.memory_space<vmem>>[vector<16xi32>], vector<16xf32>,
        %add3A_132 = arith.addf %add3A_106, %gather3A_131 : vector<16xf32>
        %gather3A_133 = tpu.vector_load_idx %arg6[%add3A_121] : memref<25600xi32, #tpu.memory_space<vmem>>[vector<16xi32>], vector<16xi32>,
        %gather3A_134 = tpu.vector_load_idx %arg10[%gather3A_133] : memref<10xf32, #tpu.memory_space<vmem>>[vector<16xi32>], vector<16xf32>,
        %add3A_135 = arith.addf %add3A_109, %gather3A_134 : vector<16xf32>
        %add3A_136 = arith.constant 1 : i32
        %add3A_137 = vector.broadcast %add3A_136 : i32 to vector<16xi32>
        %add3A_138 = arith.addi %add3A_112, %add3A_137 : vector<16xi32>
        %add3A_139 = arith.constant 1 : i32
        %add3A_140 = vector.broadcast %add3A_139 : i32 to vector<16xi32>
        %add3A_141 = arith.addi %add3A_115, %add3A_140 : vector<16xi32>
        %add3A_142 = arith.constant 1 : i32
        %add3A_143 = vector.broadcast %add3A_142 : i32 to vector<16xi32>
        %add3A_144 = arith.addi %add3A_118, %add3A_143 : vector<16xi32>
        %add3A_145 = arith.constant 1 : i32
        %add3A_146 = vector.broadcast %add3A_145 : i32 to vector<16xi32>
        %add3A_147 = arith.addi %add3A_121, %add3A_146 : vector<16xi32>
        %scan3A_148 = arith.constant 2 : i32
        %scan3A_149 = arith.addi %scan3A_90, %scan3A_148 : i32
        %gather3A_150 = tpu.vector_load_idx %arg6[%add3A_138] : memref<25600xi32, #tpu.memory_space<vmem>>[vector<16xi32>], vector<16xi32>,
        %gather3A_151 = tpu.vector_load_idx %arg10[%gather3A_150] : memref<10xf32, #tpu.memory_space<vmem>>[vector<16xi32>], vector<16xf32>,
        %add3A_152 = arith.addf %add3A_126, %gather3A_151 : vector<16xf32>
        %gather3A_153 = tpu.vector_load_idx %arg6[%add3A_141] : memref<25600xi32, #tpu.memory_space<vmem>>[vector<16xi32>], vector<16xi32>,
        %gather3A_154 = tpu.vector_load_idx %arg10[%gather3A_153] : memref<10xf32, #tpu.memory_space<vmem>>[vector<16xi32>], vector<16xf32>,
        %add3A_155 = arith.addf %add3A_129, %gather3A_154 : vector<16xf32>
        %gather3A_156 = tpu.vector_load_idx %arg6[%add3A_144] : memref<25600xi32, #tpu.memory_space<vmem>>[vector<16xi32>], vector<16xi32>,
        %gather3A_157 = tpu.vector_load_idx %arg10[%gather3A_156] : memref<10xf32, #tpu.memory_space<vmem>>[vector<16xi32>], vector<16xf32>,
        %add3A_158 = arith.addf %add3A_132, %gather3A_157 : vector<16xf32>
        %gather3A_159 = tpu.vector_load_idx %arg6[%add3A_147] : memref<25600xi32, #tpu.memory_space<vmem>>[vector<16xi32>], vector<16xi32>,
        %gather3A_160 = tpu.vector_load_idx %arg10[%gather3A_159] : memref<10xf32, #tpu.memory_space<vmem>>[vector<16xi32>], vector<16xf32>,
        %add3A_161 = arith.addf %add3A_135, %gather3A_160 : vector<16xf32>
        %add3A_162 = arith.constant 1 : i32
        %add3A_163 = vector.broadcast %add3A_162 : i32 to vector<16xi32>
        %add3A_164 = arith.addi %add3A_138, %add3A_163 : vector<16xi32>
        %add3A_165 = arith.constant 1 : i32
        %add3A_166 = vector.broadcast %add3A_165 : i32 to vector<16xi32>
        %add3A_167 = arith.addi %add3A_141, %add3A_166 : vector<16xi32>
        %add3A_168 = arith.constant 1 : i32
        %add3A_169 = vector.broadcast %add3A_168 : i32 to vector<16xi32>
        %add3A_170 = arith.addi %add3A_144, %add3A_169 : vector<16xi32>
        %add3A_171 = arith.constant 1 : i32
        %add3A_172 = vector.broadcast %add3A_171 : i32 to vector<16xi32>
        %add3A_173 = arith.addi %add3A_147, %add3A_172 : vector<16xi32>
        %scan3A_174 = arith.constant 3 : i32
        %scan3A_175 = arith.addi %scan3A_90, %scan3A_174 : i32
        %gather3A_176 = tpu.vector_load_idx %arg6[%add3A_164] : memref<25600xi32, #tpu.memory_space<vmem>>[vector<16xi32>], vector<16xi32>,
        %gather3A_177 = tpu.vector_load_idx %arg10[%gather3A_176] : memref<10xf32, #tpu.memory_space<vmem>>[vector<16xi32>], vector<16xf32>,
        %add3A_178 = arith.addf %add3A_152, %gather3A_177 : vector<16xf32>
        %gather3A_179 = tpu.vector_load_idx %arg6[%add3A_167] : memref<25600xi32, #tpu.memory_space<vmem>>[vector<16xi32>], vector<16xi32>,
        %gather3A_180 = tpu.vector_load_idx %arg10[%gather3A_179] : memref<10xf32, #tpu.memory_space<vmem>>[vector<16xi32>], vector<16xf32>,
        %add3A_181 = arith.addf %add3A_155, %gather3A_180 : vector<16xf32>
        %gather3A_182 = tpu.vector_load_idx %arg6[%add3A_170] : memref<25600xi32, #tpu.memory_space<vmem>>[vector<16xi32>], vector<16xi32>,
        %gather3A_183 = tpu.vector_load_idx %arg10[%gather3A_182] : memref<10xf32, #tpu.memory_space<vmem>>[vector<16xi32>], vector<16xf32>,
        %add3A_184 = arith.addf %add3A_158, %gather3A_183 : vector<16xf32>
        %gather3A_185 = tpu.vector_load_idx %arg6[%add3A_173] : memref<25600xi32, #tpu.memory_space<vmem>>[vector<16xi32>], vector<16xi32>,
        %gather3A_186 = tpu.vector_load_idx %arg10[%gather3A_185] : memref<10xf32, #tpu.memory_space<vmem>>[vector<16xi32>], vector<16xf32>,
        %add3A_187 = arith.addf %add3A_161, %gather3A_186 : vector<16xf32>
        %add3A_188 = arith.constant 1 : i32
        %add3A_189 = vector.broadcast %add3A_188 : i32 to vector<16xi32>
        %add3A_190 = arith.addi %add3A_164, %add3A_189 : vector<16xi32>
        %add3A_191 = arith.constant 1 : i32
        %add3A_192 = vector.broadcast %add3A_191 : i32 to vector<16xi32>
        %add3A_193 = arith.addi %add3A_167, %add3A_192 : vector<16xi32>
        %add3A_194 = arith.constant 1 : i32
        %add3A_195 = vector.broadcast %add3A_194 : i32 to vector<16xi32>
        %add3A_196 = arith.addi %add3A_170, %add3A_195 : vector<16xi32>
        %add3A_197 = arith.constant 1 : i32
        %add3A_198 = vector.broadcast %add3A_197 : i32 to vector<16xi32>
        %add3A_199 = arith.addi %add3A_173, %add3A_198 : vector<16xi32>
        %scan3A_200 = arith.constant 4 : i32
        %scan3A_201 = arith.addi %scan3A_90, %scan3A_200 : i32
        %gather3A_202 = tpu.vector_load_idx %arg6[%add3A_190] : memref<25600xi32, #tpu.memory_space<vmem>>[vector<16xi32>], vector<16xi32>,
        %gather3A_203 = tpu.vector_load_idx %arg10[%gather3A_202] : memref<10xf32, #tpu.memory_space<vmem>>[vector<16xi32>], vector<16xf32>,
        %add3A_204 = arith.addf %add3A_178, %gather3A_203 : vector<16xf32>
        %gather3A_205 = tpu.vector_load_idx %arg6[%add3A_193] : memref<25600xi32, #tpu.memory_space<vmem>>[vector<16xi32>], vector<16xi32>,
        %gather3A_206 = tpu.vector_load_idx %arg10[%gather3A_205] : memref<10xf32, #tpu.memory_space<vmem>>[vector<16xi32>], vector<16xf32>,
        %add3A_207 = arith.addf %add3A_181, %gather3A_206 : vector<16xf32>
        %gather3A_208 = tpu.vector_load_idx %arg6[%add3A_196] : memref<25600xi32, #tpu.memory_space<vmem>>[vector<16xi32>], vector<16xi32>,
        %gather3A_209 = tpu.vector_load_idx %arg10[%gather3A_208] : memref<10xf32, #tpu.memory_space<vmem>>[vector<16xi32>], vector<16xf32>,
        %add3A_210 = arith.addf %add3A_184, %gather3A_209 : vector<16xf32>
        %gather3A_211 = tpu.vector_load_idx %arg6[%add3A_199] : memref<25600xi32, #tpu.memory_space<vmem>>[vector<16xi32>], vector<16xi32>,
        %gather3A_212 = tpu.vector_load_idx %arg10[%gather3A_211] : memref<10xf32, #tpu.memory_space<vmem>>[vector<16xi32>], vector<16xf32>,
        %add3A_213 = arith.addf %add3A_187, %gather3A_212 : vector<16xf32>
        %add3A_214 = arith.constant 1 : i32
        %add3A_215 = vector.broadcast %add3A_214 : i32 to vector<16xi32>
        %add3A_216 = arith.addi %add3A_190, %add3A_215 : vector<16xi32>
        %add3A_217 = arith.constant 1 : i32
        %add3A_218 = vector.broadcast %add3A_217 : i32 to vector<16xi32>
        %add3A_219 = arith.addi %add3A_193, %add3A_218 : vector<16xi32>
        %add3A_220 = arith.constant 1 : i32
        %add3A_221 = vector.broadcast %add3A_220 : i32 to vector<16xi32>
        %add3A_222 = arith.addi %add3A_196, %add3A_221 : vector<16xi32>
        %add3A_223 = arith.constant 1 : i32
        %add3A_224 = vector.broadcast %add3A_223 : i32 to vector<16xi32>
        %add3A_225 = arith.addi %add3A_199, %add3A_224 : vector<16xi32>
        scf.yield %add3A_204, %add3A_207, %add3A_210, %add3A_213, %add3A_216, %add3A_219, %add3A_222, %add3A_225 : vector<16xf32>, vector<16xf32>, vector<16xf32>, vector<16xf32>, vector<16xi32>, vector<16xi32>, vector<16xi32>, vector<16xi32>
      }
      %scan3A_79 = arith.constant 50 : i32
      %add3A_80 = arith.addf %scan3A_78#0, %scan3A_78#1 : vector<16xf32>
      %add3A_81 = arith.addf %scan3A_78#2, %scan3A_78#3 : vector<16xf32>
      %add3A_82 = arith.addf %add3A_80, %add3A_81 : vector<16xf32>
      %mul3A_83 = arith.constant 16 : i32
      %mul3A_84 = arith.muli %scan3A_56, %mul3A_83 : i32
      %add3A_85 = arith.constant 256 : i32
      %add3A_86 = arith.addi %add3A_85, %mul3A_84 : i32
      %multiple_of3A = tpu.assume_multiple %add3A_86, 16 : i32
      %get3A = arith.index_cast %multiple_of3A : i32 to index
      %get3A_87 = tpu.vector_load %arg8[%get3A] {strides = array<i32>} : memref<512xf32, #tpu.memory_space<vmem>>, vector<16xf32>,
      %add3A_88 = arith.addf %add3A_82, %get3A_87 : vector<16xf32>
      %swap3A = arith.index_cast %multiple_of3A : i32 to index
      %swap3A_89 = tpu.vector_load %arg9[%swap3A] {strides = array<i32>} : memref<512xf32, #tpu.memory_space<vmem>>, vector<16xf32>,
      tpu.vector_store %arg9[%swap3A], %add3A_88 {strides = array<i32>} : memref<512xf32, #tpu.memory_space<vmem>>, vector<16xf32>,
    }
    %scan3A_47 = arith.constant 8 : i32
    %dma_wait3A_48 = tpu.memref_slice %arg2[%mul3A_39] : memref<3276800xi32, #tpu.memory_space<hbm>> -> memref<25600xi32, #tpu.memory_space<hbm>>
    %dma_wait3A_49 = tpu.memref_slice %arg2[%mul3A_39] : memref<3276800xi32, #tpu.memory_space<hbm>> -> memref<25600xi32, #tpu.memory_space<hbm>>
    tpu.wait_dma2 semaphore(%arg12 : memref<!tpu.dma_semaphore, #tpu.memory_space<semaphore_mem>>) src(%dma_wait3A_49 : memref<25600xi32, #tpu.memory_space<hbm>>) dst(%arg7 : memref<25600xi32, #tpu.memory_space<vmem>>)
    %scan3A_50 = arith.constant 0 : i32
    %scan3A_51 = arith.constant 0 : i32
    %scan3A_52 = arith.constant 8 : i32
    %scan3A_53 = arith.addi %scan3A_51, %scan3A_52 : i32
    %scan3A_54 = arith.constant 1 : i32
    scf.for %scan3A_56 = %scan3A_51 to %scan3A_53 step %scan3A_54  : i32 {
      %mul3A_57 = arith.constant 16 : i32
      %mul3A_58 = arith.muli %scan3A_56, %mul3A_57 : i32
      %add3A_59 = vector.broadcast %mul3A_58 : i32 to vector<16xi32>
      %add3A_60 = arith.addi %add3A_59, %iota3A : vector<16xi32>
      %mul3A_61 = arith.constant 200 : i32
      %mul3A_62 = vector.broadcast %mul3A_61 : i32 to vector<16xi32>
      %mul3A_63 = arith.muli %add3A_60, %mul3A_62 : vector<16xi32>
      %broadcast_in_dim3A = arith.constant 0.000000e+00 : f32
      %broadcast_in_dim3A_64 = vector.broadcast %broadcast_in_dim3A : f32 to vector<16xf32>
      %add3A_65 = arith.constant 50 : i32
      %add3A_66 = vector.broadcast %add3A_65 : i32 to vector<16xi32>
      %add3A_67 = arith.addi %mul3A_63, %add3A_66 : vector<16xi32>
      %add3A_68 = arith.constant 100 : i32
      %add3A_69 = vector.broadcast %add3A_68 : i32 to vector<16xi32>
      %add3A_70 = arith.addi %mul3A_63, %add3A_69 : vector<16xi32>
      %add3A_71 = arith.constant 150 : i32
      %add3A_72 = vector.broadcast %add3A_71 : i32 to vector<16xi32>
      %add3A_73 = arith.addi %mul3A_63, %add3A_72 : vector<16xi32>
      %scan3A_74 = arith.constant 0 : i32
      %scan3A_75 = arith.constant 50 : i32
      %scan3A_76 = arith.addi %scan3A_74, %scan3A_75 : i32
      %scan3A_77 = arith.constant 5 : i32
      %scan3A_78:8 = scf.for %scan3A_90 = %scan3A_74 to %scan3A_76 step %scan3A_77 iter_args(%scan3A_91 = %broadcast_in_dim3A_64, %scan3A_92 = %broadcast_in_dim3A_64, %scan3A_93 = %broadcast_in_dim3A_64, %scan3A_94 = %broadcast_in_dim3A_64, %scan3A_95 = %mul3A_63, %scan3A_96 = %add3A_67, %scan3A_97 = %add3A_70, %scan3A_98 = %add3A_73) -> (vector<16xf32>, vector<16xf32>, vector<16xf32>, vector<16xf32>, vector<16xi32>, vector<16xi32>, vector<16xi32>, vector<16xi32>)  : i32 {
        %gather3A = tpu.vector_load_idx %arg7[%scan3A_95] : memref<25600xi32, #tpu.memory_space<vmem>>[vector<16xi32>], vector<16xi32>,
        %gather3A_99 = tpu.vector_load_idx %arg10[%gather3A] : memref<10xf32, #tpu.memory_space<vmem>>[vector<16xi32>], vector<16xf32>,
        %add3A_100 = arith.addf %scan3A_91, %gather3A_99 : vector<16xf32>
        %gather3A_101 = tpu.vector_load_idx %arg7[%scan3A_96] : memref<25600xi32, #tpu.memory_space<vmem>>[vector<16xi32>], vector<16xi32>,
        %gather3A_102 = tpu.vector_load_idx %arg10[%gather3A_101] : memref<10xf32, #tpu.memory_space<vmem>>[vector<16xi32>], vector<16xf32>,
        %add3A_103 = arith.addf %scan3A_92, %gather3A_102 : vector<16xf32>
        %gather3A_104 = tpu.vector_load_idx %arg7[%scan3A_97] : memref<25600xi32, #tpu.memory_space<vmem>>[vector<16xi32>], vector<16xi32>,
        %gather3A_105 = tpu.vector_load_idx %arg10[%gather3A_104] : memref<10xf32, #tpu.memory_space<vmem>>[vector<16xi32>], vector<16xf32>,
        %add3A_106 = arith.addf %scan3A_93, %gather3A_105 : vector<16xf32>
        %gather3A_107 = tpu.vector_load_idx %arg7[%scan3A_98] : memref<25600xi32, #tpu.memory_space<vmem>>[vector<16xi32>], vector<16xi32>,
        %gather3A_108 = tpu.vector_load_idx %arg10[%gather3A_107] : memref<10xf32, #tpu.memory_space<vmem>>[vector<16xi32>], vector<16xf32>,
        %add3A_109 = arith.addf %scan3A_94, %gather3A_108 : vector<16xf32>
        %add3A_110 = arith.constant 1 : i32
        %add3A_111 = vector.broadcast %add3A_110 : i32 to vector<16xi32>
        %add3A_112 = arith.addi %scan3A_95, %add3A_111 : vector<16xi32>
        %add3A_113 = arith.constant 1 : i32
        %add3A_114 = vector.broadcast %add3A_113 : i32 to vector<16xi32>
        %add3A_115 = arith.addi %scan3A_96, %add3A_114 : vector<16xi32>
        %add3A_116 = arith.constant 1 : i32
        %add3A_117 = vector.broadcast %add3A_116 : i32 to vector<16xi32>
        %add3A_118 = arith.addi %scan3A_97, %add3A_117 : vector<16xi32>
        %add3A_119 = arith.constant 1 : i32
        %add3A_120 = vector.broadcast %add3A_119 : i32 to vector<16xi32>
        %add3A_121 = arith.addi %scan3A_98, %add3A_120 : vector<16xi32>
        %scan3A_122 = arith.constant 1 : i32
        %scan3A_123 = arith.addi %scan3A_90, %scan3A_122 : i32
        %gather3A_124 = tpu.vector_load_idx %arg7[%add3A_112] : memref<25600xi32, #tpu.memory_space<vmem>>[vector<16xi32>], vector<16xi32>,
        %gather3A_125 = tpu.vector_load_idx %arg10[%gather3A_124] : memref<10xf32, #tpu.memory_space<vmem>>[vector<16xi32>], vector<16xf32>,
        %add3A_126 = arith.addf %add3A_100, %gather3A_125 : vector<16xf32>
        %gather3A_127 = tpu.vector_load_idx %arg7[%add3A_115] : memref<25600xi32, #tpu.memory_space<vmem>>[vector<16xi32>], vector<16xi32>,
        %gather3A_128 = tpu.vector_load_idx %arg10[%gather3A_127] : memref<10xf32, #tpu.memory_space<vmem>>[vector<16xi32>], vector<16xf32>,
        %add3A_129 = arith.addf %add3A_103, %gather3A_128 : vector<16xf32>
        %gather3A_130 = tpu.vector_load_idx %arg7[%add3A_118] : memref<25600xi32, #tpu.memory_space<vmem>>[vector<16xi32>], vector<16xi32>,
        %gather3A_131 = tpu.vector_load_idx %arg10[%gather3A_130] : memref<10xf32, #tpu.memory_space<vmem>>[vector<16xi32>], vector<16xf32>,
        %add3A_132 = arith.addf %add3A_106, %gather3A_131 : vector<16xf32>
        %gather3A_133 = tpu.vector_load_idx %arg7[%add3A_121] : memref<25600xi32, #tpu.memory_space<vmem>>[vector<16xi32>], vector<16xi32>,
        %gather3A_134 = tpu.vector_load_idx %arg10[%gather3A_133] : memref<10xf32, #tpu.memory_space<vmem>>[vector<16xi32>], vector<16xf32>,
        %add3A_135 = arith.addf %add3A_109, %gather3A_134 : vector<16xf32>
        %add3A_136 = arith.constant 1 : i32
        %add3A_137 = vector.broadcast %add3A_136 : i32 to vector<16xi32>
        %add3A_138 = arith.addi %add3A_112, %add3A_137 : vector<16xi32>
        %add3A_139 = arith.constant 1 : i32
        %add3A_140 = vector.broadcast %add3A_139 : i32 to vector<16xi32>
        %add3A_141 = arith.addi %add3A_115, %add3A_140 : vector<16xi32>
        %add3A_142 = arith.constant 1 : i32
        %add3A_143 = vector.broadcast %add3A_142 : i32 to vector<16xi32>
        %add3A_144 = arith.addi %add3A_118, %add3A_143 : vector<16xi32>
        %add3A_145 = arith.constant 1 : i32
        %add3A_146 = vector.broadcast %add3A_145 : i32 to vector<16xi32>
        %add3A_147 = arith.addi %add3A_121, %add3A_146 : vector<16xi32>
        %scan3A_148 = arith.constant 2 : i32
        %scan3A_149 = arith.addi %scan3A_90, %scan3A_148 : i32
        %gather3A_150 = tpu.vector_load_idx %arg7[%add3A_138] : memref<25600xi32, #tpu.memory_space<vmem>>[vector<16xi32>], vector<16xi32>,
        %gather3A_151 = tpu.vector_load_idx %arg10[%gather3A_150] : memref<10xf32, #tpu.memory_space<vmem>>[vector<16xi32>], vector<16xf32>,
        %add3A_152 = arith.addf %add3A_126, %gather3A_151 : vector<16xf32>
        %gather3A_153 = tpu.vector_load_idx %arg7[%add3A_141] : memref<25600xi32, #tpu.memory_space<vmem>>[vector<16xi32>], vector<16xi32>,
        %gather3A_154 = tpu.vector_load_idx %arg10[%gather3A_153] : memref<10xf32, #tpu.memory_space<vmem>>[vector<16xi32>], vector<16xf32>,
        %add3A_155 = arith.addf %add3A_129, %gather3A_154 : vector<16xf32>
        %gather3A_156 = tpu.vector_load_idx %arg7[%add3A_144] : memref<25600xi32, #tpu.memory_space<vmem>>[vector<16xi32>], vector<16xi32>,
        %gather3A_157 = tpu.vector_load_idx %arg10[%gather3A_156] : memref<10xf32, #tpu.memory_space<vmem>>[vector<16xi32>], vector<16xf32>,
        %add3A_158 = arith.addf %add3A_132, %gather3A_157 : vector<16xf32>
        %gather3A_159 = tpu.vector_load_idx %arg7[%add3A_147] : memref<25600xi32, #tpu.memory_space<vmem>>[vector<16xi32>], vector<16xi32>,
        %gather3A_160 = tpu.vector_load_idx %arg10[%gather3A_159] : memref<10xf32, #tpu.memory_space<vmem>>[vector<16xi32>], vector<16xf32>,
        %add3A_161 = arith.addf %add3A_135, %gather3A_160 : vector<16xf32>
        %add3A_162 = arith.constant 1 : i32
        %add3A_163 = vector.broadcast %add3A_162 : i32 to vector<16xi32>
        %add3A_164 = arith.addi %add3A_138, %add3A_163 : vector<16xi32>
        %add3A_165 = arith.constant 1 : i32
        %add3A_166 = vector.broadcast %add3A_165 : i32 to vector<16xi32>
        %add3A_167 = arith.addi %add3A_141, %add3A_166 : vector<16xi32>
        %add3A_168 = arith.constant 1 : i32
        %add3A_169 = vector.broadcast %add3A_168 : i32 to vector<16xi32>
        %add3A_170 = arith.addi %add3A_144, %add3A_169 : vector<16xi32>
        %add3A_171 = arith.constant 1 : i32
        %add3A_172 = vector.broadcast %add3A_171 : i32 to vector<16xi32>
        %add3A_173 = arith.addi %add3A_147, %add3A_172 : vector<16xi32>
        %scan3A_174 = arith.constant 3 : i32
        %scan3A_175 = arith.addi %scan3A_90, %scan3A_174 : i32
        %gather3A_176 = tpu.vector_load_idx %arg7[%add3A_164] : memref<25600xi32, #tpu.memory_space<vmem>>[vector<16xi32>], vector<16xi32>,
        %gather3A_177 = tpu.vector_load_idx %arg10[%gather3A_176] : memref<10xf32, #tpu.memory_space<vmem>>[vector<16xi32>], vector<16xf32>,
        %add3A_178 = arith.addf %add3A_152, %gather3A_177 : vector<16xf32>
        %gather3A_179 = tpu.vector_load_idx %arg7[%add3A_167] : memref<25600xi32, #tpu.memory_space<vmem>>[vector<16xi32>], vector<16xi32>,
        %gather3A_180 = tpu.vector_load_idx %arg10[%gather3A_179] : memref<10xf32, #tpu.memory_space<vmem>>[vector<16xi32>], vector<16xf32>,
        %add3A_181 = arith.addf %add3A_155, %gather3A_180 : vector<16xf32>
        %gather3A_182 = tpu.vector_load_idx %arg7[%add3A_170] : memref<25600xi32, #tpu.memory_space<vmem>>[vector<16xi32>], vector<16xi32>,
        %gather3A_183 = tpu.vector_load_idx %arg10[%gather3A_182] : memref<10xf32, #tpu.memory_space<vmem>>[vector<16xi32>], vector<16xf32>,
        %add3A_184 = arith.addf %add3A_158, %gather3A_183 : vector<16xf32>
        %gather3A_185 = tpu.vector_load_idx %arg7[%add3A_173] : memref<25600xi32, #tpu.memory_space<vmem>>[vector<16xi32>], vector<16xi32>,
        %gather3A_186 = tpu.vector_load_idx %arg10[%gather3A_185] : memref<10xf32, #tpu.memory_space<vmem>>[vector<16xi32>], vector<16xf32>,
        %add3A_187 = arith.addf %add3A_161, %gather3A_186 : vector<16xf32>
        %add3A_188 = arith.constant 1 : i32
        %add3A_189 = vector.broadcast %add3A_188 : i32 to vector<16xi32>
        %add3A_190 = arith.addi %add3A_164, %add3A_189 : vector<16xi32>
        %add3A_191 = arith.constant 1 : i32
        %add3A_192 = vector.broadcast %add3A_191 : i32 to vector<16xi32>
        %add3A_193 = arith.addi %add3A_167, %add3A_192 : vector<16xi32>
        %add3A_194 = arith.constant 1 : i32
        %add3A_195 = vector.broadcast %add3A_194 : i32 to vector<16xi32>
        %add3A_196 = arith.addi %add3A_170, %add3A_195 : vector<16xi32>
        %add3A_197 = arith.constant 1 : i32
        %add3A_198 = vector.broadcast %add3A_197 : i32 to vector<16xi32>
        %add3A_199 = arith.addi %add3A_173, %add3A_198 : vector<16xi32>
        %scan3A_200 = arith.constant 4 : i32
        %scan3A_201 = arith.addi %scan3A_90, %scan3A_200 : i32
        %gather3A_202 = tpu.vector_load_idx %arg7[%add3A_190] : memref<25600xi32, #tpu.memory_space<vmem>>[vector<16xi32>], vector<16xi32>,
        %gather3A_203 = tpu.vector_load_idx %arg10[%gather3A_202] : memref<10xf32, #tpu.memory_space<vmem>>[vector<16xi32>], vector<16xf32>,
        %add3A_204 = arith.addf %add3A_178, %gather3A_203 : vector<16xf32>
        %gather3A_205 = tpu.vector_load_idx %arg7[%add3A_193] : memref<25600xi32, #tpu.memory_space<vmem>>[vector<16xi32>], vector<16xi32>,
        %gather3A_206 = tpu.vector_load_idx %arg10[%gather3A_205] : memref<10xf32, #tpu.memory_space<vmem>>[vector<16xi32>], vector<16xf32>,
        %add3A_207 = arith.addf %add3A_181, %gather3A_206 : vector<16xf32>
        %gather3A_208 = tpu.vector_load_idx %arg7[%add3A_196] : memref<25600xi32, #tpu.memory_space<vmem>>[vector<16xi32>], vector<16xi32>,
        %gather3A_209 = tpu.vector_load_idx %arg10[%gather3A_208] : memref<10xf32, #tpu.memory_space<vmem>>[vector<16xi32>], vector<16xf32>,
        %add3A_210 = arith.addf %add3A_184, %gather3A_209 : vector<16xf32>
        %gather3A_211 = tpu.vector_load_idx %arg7[%add3A_199] : memref<25600xi32, #tpu.memory_space<vmem>>[vector<16xi32>], vector<16xi32>,
        %gather3A_212 = tpu.vector_load_idx %arg10[%gather3A_211] : memref<10xf32, #tpu.memory_space<vmem>>[vector<16xi32>], vector<16xf32>,
        %add3A_213 = arith.addf %add3A_187, %gather3A_212 : vector<16xf32>
        %add3A_214 = arith.constant 1 : i32
        %add3A_215 = vector.broadcast %add3A_214 : i32 to vector<16xi32>
        %add3A_216 = arith.addi %add3A_190, %add3A_215 : vector<16xi32>
        %add3A_217 = arith.constant 1 : i32
        %add3A_218 = vector.broadcast %add3A_217 : i32 to vector<16xi32>
        %add3A_219 = arith.addi %add3A_193, %add3A_218 : vector<16xi32>
        %add3A_220 = arith.constant 1 : i32
        %add3A_221 = vector.broadcast %add3A_220 : i32 to vector<16xi32>
        %add3A_222 = arith.addi %add3A_196, %add3A_221 : vector<16xi32>
        %add3A_223 = arith.constant 1 : i32
        %add3A_224 = vector.broadcast %add3A_223 : i32 to vector<16xi32>
        %add3A_225 = arith.addi %add3A_199, %add3A_224 : vector<16xi32>
        scf.yield %add3A_204, %add3A_207, %add3A_210, %add3A_213, %add3A_216, %add3A_219, %add3A_222, %add3A_225 : vector<16xf32>, vector<16xf32>, vector<16xf32>, vector<16xf32>, vector<16xi32>, vector<16xi32>, vector<16xi32>, vector<16xi32>
      }
      %scan3A_79 = arith.constant 50 : i32
      %add3A_80 = arith.addf %scan3A_78#0, %scan3A_78#1 : vector<16xf32>
      %add3A_81 = arith.addf %scan3A_78#2, %scan3A_78#3 : vector<16xf32>
      %add3A_82 = arith.addf %add3A_80, %add3A_81 : vector<16xf32>
      %mul3A_83 = arith.constant 16 : i32
      %mul3A_84 = arith.muli %scan3A_56, %mul3A_83 : i32
      %add3A_85 = arith.constant 384 : i32
      %add3A_86 = arith.addi %add3A_85, %mul3A_84 : i32
      %multiple_of3A = tpu.assume_multiple %add3A_86, 16 : i32
      %get3A = arith.index_cast %multiple_of3A : i32 to index
      %get3A_87 = tpu.vector_load %arg8[%get3A] {strides = array<i32>} : memref<512xf32, #tpu.memory_space<vmem>>, vector<16xf32>,
      %add3A_88 = arith.addf %add3A_82, %get3A_87 : vector<16xf32>
      %swap3A = arith.index_cast %multiple_of3A : i32 to index
      %swap3A_89 = tpu.vector_load %arg9[%swap3A] {strides = array<i32>} : memref<512xf32, #tpu.memory_space<vmem>>, vector<16xf32>,
      tpu.vector_store %arg9[%swap3A], %add3A_88 {strides = array<i32>} : memref<512xf32, #tpu.memory_space<vmem>>, vector<16xf32>,
    }
    %scan3A_55 = arith.constant 8 : i32
    "tpu.region"() ({
      %run_scoped3A = tpu.sem_alloc : memref<!tpu.dma_semaphore, #tpu.memory_space<semaphore_mem>>
      %dma_start3A_56 = tpu.memref_slice %arg5[%mul3A_2] : memref<16384xf32, #tpu.memory_space<hbm>> -> memref<512xf32, #tpu.memory_space<hbm>>
      %dma_start3A_57 = tpu.memref_slice %arg5[%mul3A_2] : memref<16384xf32, #tpu.memory_space<hbm>> -> memref<512xf32, #tpu.memory_space<hbm>>
      tpu.enqueue_dma source(%arg9 : memref<512xf32, #tpu.memory_space<vmem>>) target(%dma_start3A_57 : memref<512xf32, #tpu.memory_space<hbm>>) target_semaphore(%run_scoped3A : memref<!tpu.dma_semaphore, #tpu.memory_space<semaphore_mem>>)
      %dma_wait3A_58 = tpu.memref_slice %arg5[%mul3A_2] : memref<16384xf32, #tpu.memory_space<hbm>> -> memref<512xf32, #tpu.memory_space<hbm>>
      %dma_wait3A_59 = tpu.memref_slice %arg5[%mul3A_2] : memref<16384xf32, #tpu.memory_space<hbm>> -> memref<512xf32, #tpu.memory_space<hbm>>
      tpu.wait_dma2 semaphore(%run_scoped3A : memref<!tpu.dma_semaphore, #tpu.memory_space<semaphore_mem>>) src(%arg9 : memref<512xf32, #tpu.memory_space<vmem>>) dst(%dma_wait3A_59 : memref<512xf32, #tpu.memory_space<hbm>>)
      tpu.yield
    }) : () -> ()
    return
  }
}

module attributes {stable_mosaic.version = 14 : i64} {
  func.func @_tc_copy_body(%arg0: i32, %arg1: memref<200x2048xi32, #tpu.memory_space<vmem>>, %arg2: memref<200x2048xi32, #tpu.memory_space<vmem>>) attributes {dimension_semantics = [#tpu.dimension_semantics<arbitrary>], iteration_bounds = array<i64: 8>, scalar_prefetch = 0 : i64, scratch_operands = 0 : i64, tpu.core_type = #tpu.core_type<tc>, window_params = [{transform_indices = @transform_0, window_bounds = array<i64: 200, 2048>}, {transform_indices = @transform_1, window_bounds = array<i64: 200, 2048>}]} {
    %get3A = arith.constant 0 : index
    %get3A_0 = arith.constant 0 : index
    %get3A_1 = vector.load %arg1[%get3A, %get3A_0] : memref<200x2048xi32, #tpu.memory_space<vmem>>, vector<200x2048xi32>
    %swap3A = arith.constant 0 : index
    %swap3A_2 = arith.constant 0 : index
    %swap3A_3 = vector.load %arg2[%swap3A, %swap3A_2] : memref<200x2048xi32, #tpu.memory_space<vmem>>, vector<200x2048xi32>
    tpu.vector_store %arg2[%swap3A, %swap3A_2], %get3A_1 {strides = array<i32>} : memref<200x2048xi32, #tpu.memory_space<vmem>>, vector<200x2048xi32>,
    return
  }
  func.func @transform_0(%arg0: i32) -> (i32, i32) {
    %c0_i32 = arith.constant 0 : i32
    %c0_i32_0 = arith.constant 0 : i32
    return %arg0, %c0_i32 : i32, i32
  }
  func.func @transform_1(%arg0: i32) -> (i32, i32) {
    %c0_i32 = arith.constant 0 : i32
    %c0_i32_0 = arith.constant 0 : i32
    return %arg0, %c0_i32 : i32, i32
  }
}

</mosaic_0001>

<sc_bundles>
// kernel: _shifted.4.cloned.1.call-start
scs
__scs_entry_jumppad:
0x0: {  	(pc) =	sbr.rel $0x88, $3  }
0x1: {  	(tag) =	ssettag $0x0;
	lr =	simm.s32 $0x1  }
0x2: {  	[smem:$0x3F9E] =	sst lr;
	_ =	strace $0xD0000000  }
0x3: {  	_ = 	snop  }
0x4: {  	_ = 	snop  }
0x5: {  	_ = 	snop  }
0x6: {  	_ = 	snop  }
0x7: {  	_ = 	snop  }
__scs_overlays_trampoline_lowered:
0x8: {  	[smem:$0x3FAD] =	sst s0  }
0x9: {  	[smem:$0x3FAE] =	sst s1  }
0xa: {  	[smem:$0x3FAF] =	sst s2  }
0xb: {  	[smem:$0x3FB0] =	sst s3  }
0xc: {  	[smem:$0x3FB1] =	sst s4  }
0xd: {  	[smem:$0x3FB2] =	sst s5  }
0xe: {  	[smem:$0x3FB3] =	sst s6  }
0xf: {  	[smem:$0x3FB4] =	sst s7  }
0x10: {  	[smem:$0x3FB5] =	sst s8  }
0x11: {  	[smem:$0x3FB6] =	sst s9;
	s0 =	simm.s32 @!p0 $0x0  }
0x12: {  	s1 =	sld [smem:$0x3F9C];
	s0 =	simm.s32 @p0 $0x1  }
0x13: {  	[smem:$0x3FB7] =	sst s0;
	s0 =	simm.s32 @!p1 $0x0  }
0x14: {  	s2 =	sld [smem:$0x3F9B];
	s0 =	simm.s32 @p1 $0x1  }
0x15: {  	[smem:$0x3FB8] =	sst s0;
	s0 =	simm.s32 @!p2 $0x0  }
0x16: {  	s3 =	sld [smem:$0x3FDB];
	s0 =	simm.s32 @p2 $0x1  }
0x17: {  	s4 =	simm.s32 $0x1BF5;
	[smem:$0x3FBA] =	sst s0  }
0x18: {  	s0 =	sld [smem:$0x3F9D];
	_ =	swait.ge [sflag:s4], $0x0  }
0x19: {  	s7 =	sld [smem:$0x3F9E]  }
0x1a: {  	s8 =	sadd.s32 $0xFFFFE003, lr  }
0x1b: {  	s9 =	sadd.s32 $0xFFFFFEF7, lr;
	s5 =	simm.s32 $0xFFFFFFFF;
	p2 =	slt.u32 s8, $0xFFFFF086  }
0x1c: {  	p1 =	slt.u32 s9, $0xF7A;
	s5 =	simm.s32 @!p2 $0x0  }
0x1d: {  	s5 =	simm.s32 @p1 $0x1;
	p0 =	seq.s32 s7, s2  }
0x1e: {  	s7 =	smul.u32 @!p0 $0xF7A, s2;
	p2 =	seq.s32 @!p0 s5, $0x0  }
0x1f: {  	s9 =	smul.u32 $0xF7A, s1;
	s8 =	simm.s32 @!p0 $0x1BF5;
	p2 =	por !p2, p0  }
0x20: {  	[sflag:s8] =	ssyncset.s32 @!p0 $0xFFFFF086;
	s6 =	sadd.s32 @!p0 s3, s7;
	s7 =	simm.s32 @!p0 $0x108  }
0x21: {  	s3 =	sadd.s32 s3, s9;
	s6 =	sadd.s32 @!p0 $0x88, s6;
	s7 =	simm.s32 @p2 $0x1082  }
0x22: {  	[simem:s7], [sflag:s8] =	dma.local @!p0 [hbm:s6], $0xF7A  }
0x23: {  	s9 =	sor.u32 $0xD0000000, s2;
	s6 =	simm.s32 $0x108;
	_ =	swait.ge @!p0 [sflag:s8], $0x0  }
0x24: {  	s3 =	sadd.s32 $0x88, s3;
	s6 =	simm.s32 @!p1 $0x1082;
	[sflag:s4] =	ssyncset.s32 $0xFFFFF086  }
0x25: {  	[simem:s6], [sflag:s4] =	dma.local [hbm:s3], $0xF7A  }
0x26: {  	[smem:$0x3F9E] =	sst s1;
	(tag) =	ssettag s2;
	_ =	strace s9  }
0x27: {  	s1 =	sld [smem:$0x3FAE]  }
0x28: {  	s2 =	sld [smem:$0x3FAF]  }
0x29: {  	s4 =	sld [smem:$0x3FB1]  }
0x2a: {  	p0 =	seq.s32 s5, $0x0;
	s5 =	sld [smem:$0x3FB2]  }
0x2b: {  	s6 =	sld [smem:$0x3FB3]  }
0x2c: {  	s7 =	sld [smem:$0x3FB4]  }
0x2d: {  	s3 =	simm.s32 $0x108;
	s8 =	sld [smem:$0x3FB5]  }
0x2e: {  	s3 =	simm.s32 @!p0 $0x1082;
	s9 =	sld [smem:$0x3FB6]  }
0x2f: {  	lr =	sadd.s32 s0, s3;
	s0 =	sld [smem:$0x3FAD]  }
0x30: {  	s3 =	sld [smem:$0x3FB0]  }
0x31: {  	[smem:$0x3FB9] =	sst s10  }
0x32: {  	s10 =	sld [smem:$0x3FB7];
	_ =	sdelay $0x3  }
0x33: {  	p0 =	seq.s32 s10, $0x1;
	s10 =	sld [smem:$0x3FB9];
	_ =	sdelay $0x3  }
0x34: {  	[smem:$0x3FB9] =	sst s10  }
0x35: {  	s10 =	sld [smem:$0x3FB8];
	_ =	sdelay $0x3  }
0x36: {  	p1 =	seq.s32 s10, $0x1;
	s10 =	sld [smem:$0x3FB9];
	_ =	sdelay $0x3  }
0x37: {  	[smem:$0x3FB9] =	sst s10  }
0x38: {  	s10 =	sld [smem:$0x3FBA]  }
0x39: {  	_ = 	snop;
	(pc) =	sbr.ind lr, $3  }
0x3a: {  	_ = 	snop  }
0x3b: {  	_ = 	snop  }
0x3c: {  	p2 =	seq.s32 s10, $0x1;
	s10 =	sld [smem:$0x3FB9]  }
0x3d: {  	_ =	shalt  }
0x3e: {  	_ =	shalt  }
0x3f: {  	_ =	shalt  }
0x40: {  	_ =	shalt  }
0x41: {  	_ =	shalt  }
0x42: {  	_ =	shalt  }
0x43: {  	_ =	shalt  }
0x44: {  	_ =	shalt  }
0x45: {  	_ =	shalt  }
0x46: {  	_ =	shalt  }
0x47: {  	_ =	shalt  }
0x48: {  	_ =	shalt  }
0x49: {  	_ =	shalt  }
0x4a: {  	_ =	shalt  }
0x4b: {  	_ =	shalt  }
0x4c: {  	_ =	shalt  }
0x4d: {  	_ =	shalt  }
0x4e: {  	_ =	shalt  }
0x4f: {  	_ =	shalt  }
0x50: {  	_ =	shalt  }
0x51: {  	_ =	shalt  }
0x52: {  	_ =	shalt  }
0x53: {  	_ =	shalt  }
0x54: {  	_ =	shalt  }
0x55: {  	_ =	shalt  }
0x56: {  	_ =	shalt  }
0x57: {  	_ =	shalt  }
0x58: {  	_ =	shalt  }
0x59: {  	_ =	shalt  }
0x5a: {  	_ =	shalt  }
0x5b: {  	_ =	shalt  }
0x5c: {  	_ =	shalt  }
0x5d: {  	_ =	shalt  }
0x5e: {  	_ =	shalt  }
0x5f: {  	_ =	shalt  }
0x60: {  	_ =	shalt  }
0x61: {  	_ =	shalt  }
0x62: {  	_ =	shalt  }
0x63: {  	_ =	shalt  }
0x64: {  	_ =	shalt  }
0x65: {  	_ =	shalt  }
0x66: {  	_ =	shalt  }
0x67: {  	_ =	shalt  }
0x68: {  	_ =	shalt  }
0x69: {  	_ =	shalt  }
0x6a: {  	_ =	shalt  }
0x6b: {  	_ =	shalt  }
0x6c: {  	_ =	shalt  }
0x6d: {  	_ =	shalt  }
0x6e: {  	_ =	shalt  }
0x6f: {  	_ =	shalt  }
0x70: {  	_ =	shalt  }
0x71: {  	_ =	shalt  }
0x72: {  	_ =	shalt  }
0x73: {  	_ =	shalt  }
0x74: {  	_ =	shalt  }
0x75: {  	_ =	shalt  }
0x76: {  	_ =	shalt  }
0x77: {  	_ =	shalt  }
0x78: {  	_ =	shalt  }
0x79: {  	_ =	shalt  }
0x7a: {  	_ =	shalt  }
0x7b: {  	_ =	shalt  }
0x7c: {  	_ =	shalt  }
0x7d: {  	_ =	shalt  }
0x7e: {  	_ =	shalt  }
0x7f: {  	_ =	shalt  }
0x80: {  	_ =	shalt  }
0x81: {  	_ =	shalt  }
0x82: {  	_ =	shalt  }
0x83: {  	_ =	shalt  }
0x84: {  	_ =	shalt  }
0x85: {  	_ =	shalt  }
0x86: {  	_ =	shalt  }
0x87: {  	_ =	shalt  }
.Lfunc_end0:
.L_simem_size_0:
called_computation_lowered:
.L_overlay_start_0:
0x88: {  	s2 =	sld [smem:$0x3FD9]  }
0x89: {  	s3 =	sld [smem:$0x3FFE];
	_ =	sdelay $0x1  }
0x8a: {  	s1 =	srdreg.scid  }
0x8b: {  	s0 =	sand.u32 $0x1, s1  }
0x8c: {  	s14 =	sshll.u32 s0, $0xA;
	s2 =	sadd.s32 s3, s2  }
0x8d: {  	s2 =	sadd.s32 s2, s14  }
0x8e: {  	[smem:$0x3FC5] =	sst s2  }
0x8f: {  	_ = 	snop  }
0x90: {  	s2 =	sld [smem:$0x3FD0];
	_ =	sdelay $0x1  }
0x91: {  	s15 =	sld [smem:$0x3FC8]  }
0x92: {  	s5 =	simm.s32 $0xA;
	s6 =	simm.s32 $0x10;
	s4 =	sld [smem:$0x3FC7]  }
0x93: {  	[smem:s6], [sflag:s5] =	dma.local [hbm:s2], $0x1  }
0x94: {  	_ =	swait.eq [sflag:s5], $0x1  }
0x95: {  	[sflag:s5] =	ssyncset.done $0x0  }
0x96: {  	[sflag:s5] =	ssyncadd.s32 $0xFFFFFFFF  }
0x97: {  	s16 =	sld [smem:$0x11];
	(tm) =	ssettm $0x1  }
0x98: {  	s17 =	sld [smem:$0x3FFB];
	_ =	sdelay $0x3  }
0x99: {  	_ =	strace s17  }
0x9a: {  	s5 =	sld [smem:$0x3FFC];
	_ =	sdelay $0x3  }
0x9b: {  	_ =	strace s5  }
0x9c: {  	s5 =	sld [smem:$0x3FFD];
	_ =	sdelay $0x3  }
0x9d: {  	_ =	strace s5  }
0x9e: {  	_ =	strace $0x8FFFFFFF  }
0x9f: {  	s18 =	sld [smem:$0x3FDB];
	_ =	sdelay $0x1  }
0xa0: {  	s19 =	simm.s32 $_scs_section_size  }
0xa1: {  	s7 =	simm.s32 $_size__tile_overlayer_lowered;
	s8 =	simm.s32 $_tile_overlayer_lowered  }
0xa2: {  	s22 =	simm.s32 $0x1BFF;
	s21 =	sshll.u32 s8, $0x1;
	s5 =	sadd.s32 s19, s18  }
0xa3: {  	s9 =	simm.s32 $0x0;
	s20 =	sshll.u32 s7, $0x1;
	s7 =	sadd.s32 s21, s5  }
0xa4: {  	[timem:s9], [sflag:s22] =	dma.local [hbm:s7], s20  }
0xa5: {  	_ =	swait.ge [sflag:s22], s20  }
0xa6: {  	s6 =	ssub.s32 $0x0, s20;
	[sflag:s22] =	ssyncset.done $0x0  }
0xa7: {  	[sflag:s22] =	ssyncadd.s32 s6;
	_ =	sdelay $0x1  }
0xa8: {  	s23 =	simm.s32 $0x1B8B  }
0xa9: {  	_ =	swait.ge [sflag:s23], $0x1  }
0xaa: {  	[sflag:s23] =	ssyncset.done $0x0  }
0xab: {  	s25 =	simm.s32 $0x1B8E;
	s24 =	sld [smem:$0x3FFE];
	[sflag:s23] =	ssyncadd.s32 $0xFFFFFFFF  }
0xac: {  	s26 =	simm.s32 $execute0_lowered;
	[smem:$0x3FD2] =	sst s25  }
0xad: {  	s7 =	sshll.u32 s26, $0x1;
	_ =	strace $0x80000046;
	[dreg:$0x1] =	wrdreg $0xFFFFFFFF  }
0xae: {  	s28 =	simm.s32 $_size_execute0_lowered;
	s5 =	sadd.s32 s5, s7;
	[dreg:$0x0] =	wrdreg $0x0  }
0xaf: {  	s7 =	sshll.u32 s28, $0x1;
	[dreg:$0x2] =	wrdreg s5  }
0xb0: {  	[dreg:$0x3] =	wrdreg s7  }
0xb1: {  	[dreg:$0x4] =	wrdreg $0xC0  }
0xb2: {  	_ =	task [dreg:s9], $0x5FFFF  }
0xb3: {  	[dreg:$0x1] =	wrdreg $0xFFFFFFFF  }
0xb4: {  	[dreg:$0x0] =	wrdreg $0x60  }
0xb5: {  	[dreg:$0x2] =	wrdreg s24  }
0xb6: {  	[dreg:$0x3] =	wrdreg s15  }
0xb7: {  	[dreg:$0x4] =	wrdreg s4  }
0xb8: {  	[dreg:$0x5] =	wrdreg s16  }
0xb9: {  	[dreg:$0x6] =	wrdreg $0x9  }
0xba: {  	_ =	task.clear_ibuf [dreg:s9], $0x7FFFF;
	_ =	strace $0x90000046  }
0xbb: {  	s29 =	simm.s32 $0x9;
	_ =	strace $0x80000048  }
0xbc: {  	_ =	swait.ge [sflag:s29], $0x1  }
0xbd: {  	[sflag:s29] =	ssyncadd.s32 $0xFFFFFFFF  }
0xbe: {  	_ =	strace $0x90000048  }
0xbf: {  	_ =	sfence  }
0xc0: {  	s30 =	sld [smem:$0x0];
	_ =	sdelay $0x2  }
0xc1: {  	s31 =	sshll.u32 s1, $0xD;
	s1 =	sshrl.u32 s1, $0x2  }
0xc2: {  	s3 =	sand.u32 $0x4000, s31;
	s1 =	sadd.s32 s1, s30  }
0xc3: {  	s0 =	sor.u32 s3, s0;
	s1 =	sshll.u32 s1, $0x11  }
0xc4: {  	s0 =	sor.u32 s1, s0  }
0xc5: {  	s0 =	sadd.s32 $0x8F2B, s0  }
0xc6: {  	[sflag:s0] =	ssyncadd.remote.s32 $0x1  }
0xc7: {  	_ =	sfence.sel $0xFFFF  }
0xc8: {  	[dreg:$0x0] =	wrdreg $0xFFFFFFFF;
	(pc) =	sbr.abs _section_cstart, $3  }
0xc9: {  	[dreg:$0x1] =	wrdreg $0xFFFFFFFF  }
0xca: {  	_ =	task.clear_ibuf [dreg:s9], $0x2FFFF;
	_ =	strace $0x9FFFFFFF  }
0xcb: {  	(tm) =	ssettm $0x7FFFFFFF  }
tec
execute0_lowered:
.L_overlay_start_1:
0x0: {  	(tag) =	ssettag $0x1  }
0x1: {  	s4 =	rddreg [dreg:$0x0]  }
0x2: {  	s5 =	rddreg [dreg:$0x1]  }
0x3: {  	s2 =	rddreg [dreg:$0x2];
	s1 =	srdreg.scid  }
0x4: {  	s0 =	stileid.u32;
	s9 =	rddreg [dreg:$0x3];
	s3 =	simm.s32 $0x0  }
0x5: {  	s14 =	simm.s32 $0x1;
	s15 =	simm.s32 $0x6400;
	s16 =	simm.s32 $0x2  }
0x6: {  	s17 =	simm.s32 $0xCA00;
	s6 =	sand.u32 $0x1, s1;
	s1 =	rddreg [dreg:$0x4]  }
0x7: {  	s18 =	simm.s32 $0x0;
	s7 =	sshll.u32 s0, $0x1;
	[smem:$0x7FF] =	sst s3  }
0x8: {  	s10 =	sadd.s32 $0x400, s4;
	s7 =	sor.u32 s6, s7;
	s31 =	ssub.s32 $0x2, s6  }
0x9: {  	_ =	strace $0x80000047;
	s8 =	smul.u32 $0x19000, s7;
	s6 =	sshrl.u32 s31, $0x1  }
0xa: {  	s11 =	smul.u32 $0x3200, s7;
	s13 =	sshll.u32 s7, $0x6;
	s12 =	ssub.s32 s31, s6  }
0xb: {  	v0 =	vlaneseq.u32;
	s4 =	sadd.s32 s5, s13;
	s9 =	sadd.s32 s9, s13;
	s13 =	simm.s32 $0xC800  }
0xc: {  	v0 =	vmul.u32 $0xC8, v0;
	s8 =	sshrl.u32 s8, $0x3;
	s5 =	sadd.s32 s10, s11;
	s11 =	simm.s32 $0xCC00  }
0xd: {  	s8 =	sadd.s32 s10, s8;
	s10 =	smax.u32 s12, $0x1;
	s12 =	simm.s32 $0x3  }
0xe: {  	v1 =	vadd.s32 $0x32, v0;
	v2 =	vadd.s32 $0x64, v0;
	v3 =	vadd.s32 $0x96, v0;
	s6 =	sadd.s32 $0xC80, s8;
	s7 =	sadd.s32 $0x1900, s8;
	s8 =	sadd.s32 $0x2580, s8  }
.LBB2_1:
0xf: {  	[tilespmem:s11], [sflag:$0x3] =	stream.linear.gather [hbm4b:s2+s3], $0x80, $0x38;
	[tilespmem:$0xCC80] =	vst v63  }
0x10: {  	_ =	swait.ge [sflag:s12], $0x80  }
0x11: {  	[sflag:s12] =	ssyncset.done $0x0  }
0x12: {  	[sflag:s12] =	ssyncadd.s32 $0xFFFFFF80  }
0x13: {  	[tilespmem:s13], [sflag:$0x3] =	stream.linear.gather [hbm4b:s4+s3], $0x200, $0x38;
	[tilespmem:$0xCC80] =	vst v63  }
0x14: {  	_ =	swait.ge [sflag:s12], $0x200  }
0x15: {  	[sflag:s12] =	ssyncset.done $0x0  }
0x16: {  	[sflag:s12] =	ssyncadd.s32 $0xFFFFFE00  }
0x17: {  	[tilespmem:s3], [sflag:$0x1] =	stream.linear.gather [hbm4b:s5+s3], $0x6400, $0x38;
	[tilespmem:$0xCC80] =	vst v63  }
0x18: {  	_ =	swait.ge [sflag:s14], $0x6400  }
0x19: {  	[sflag:s14] =	ssyncset.done $0x0  }
0x1a: {  	s19 =	simm.s32 $0x0;
	[sflag:s14] =	ssyncadd.s32 $0xFFFF9C00  }
0x1b: {  	[tilespmem:s15], [sflag:$0x2] =	stream.linear.gather [hbm4b:s6+s3], $0x6400, $0x38;
	[tilespmem:$0xCC80] =	vst v63  }
.LBB2_2:
0x1c: {  	s20 =	sshll.u32 s19, $0x4  }
0x1d: {  	v4 =	vmov s20  }
0x1e: {  	v4 =	vmul.u32 $0xC8, v4;
	_ =	sdelay $0x1  }
0x1f: {  	v4 =	vbroadcast v4, $0x0;
	_ =	sdelay $0x1  }
0x20: {  	v6 =	vadd.s32 v0, v4  }
0x21: {  	v7 =	vadd.s32 v3, v4  }
0x22: {  	v8 =	vadd.s32 v2, v4  }
0x23: {  	v9 =	vadd.s32 v1, v4  }
0x24: {  	v4 =	vadd.s32 $0x1, v6  }
0x25: {  	v5 =	vadd.s32 $0x3, v7;
	v10 =	vld.idx.msk [tilespmem:v6+s3+$0x0], $0xffff  }
0x26: {  	v12 =	vadd.s32 $0x4, v9;
	v11 =	vld.idx.msk [tilespmem:v7+s3+$0x0], $0xffff  }
0x27: {  	v14 =	vadd.s32 $0x4, v7;
	v13 =	vld.idx.msk [tilespmem:v8+s3+$0x0], $0xffff  }
0x28: {  	v16 =	vadd.s32 $0x4, v8;
	v15 =	vld.idx.msk [tilespmem:v9+s3+$0x0], $0xffff  }
0x29: {  	v17 =	vadd.s32 $0x4, v6;
	v18 =	vld.idx.msk [tilespmem:v4+s3+$0x0], $0xffff  }
0x2a: {  	v20 =	vadd.s32 $0x3, v8;
	v19 =	vld.idx.msk [tilespmem:v5+s3+$0x0], $0xffff  }
0x2b: {  	v21 =	vadd.s32 $0x1, v9;
	v12 =	vld.idx.msk [tilespmem:v12+s3+$0x0], $0xffff  }
0x2c: {  	v26 =	vadd.s32 $0x3, v6;
	v22 =	vld.idx.msk [tilespmem:v14+s3+$0x0], $0xffff  }
0x2d: {  	v27 =	vadd.s32 $0x2, v9;
	v5 =	vld.idx.msk [tilespmem:v16+s3+$0x0], $0xffff  }
0x2e: {  	v4 =	vadd.s32 $0x3, v9;
	v23 =	vld.idx.msk [tilespmem:v17+s3+$0x0], $0xffff  }
0x2f: {  	v14 =	vadd.s32 $0x1, v8;
	v17 =	vld.idx.msk [tilespmem:v20+s3+$0x0], $0xffff  }
0x30: {  	v20 =	vadd.s32 $0x2, v8;
	v21 =	vld.idx.msk [tilespmem:v21+s3+$0x0], $0xffff  }
0x31: {  	v26 =	vld.idx.msk [tilespmem:v26+s3+$0x0], $0xffff  }
0x32: {  	v27 =	vld.idx.msk [tilespmem:v27+s3+$0x0], $0xffff  }
0x33: {  	v16 =	vld.idx.msk [tilespmem:v4+s3+$0x0], $0xffff  }
0x34: {  	v14 =	vld.idx.msk [tilespmem:v14+s3+$0x0], $0xffff  }
0x35: {  	v20 =	vld.idx.msk [tilespmem:v20+s3+$0x0], $0xffff  }
0x36: {  	v4 =	vld.idx.msk [tilespmem:v12+s11+$0x0], $0xffff;
	v12 =	vadd.s32 $0x2, v6  }
0x37: {  	v24 =	vld.idx.msk [tilespmem:v11+s11+$0x0], $0xffff;
	v11 =	vadd.s32 $0x1, v7  }
0x38: {  	v25 =	vld.idx.msk [tilespmem:v10+s11+$0x0], $0xffff;
	v10 =	vadd.s32 $0x2, v7  }
0x39: {  	v15 =	vld.idx.msk [tilespmem:v15+s11+$0x0], $0xffff  }
0x3a: {  	v13 =	vld.idx.msk [tilespmem:v13+s11+$0x0], $0xffff  }
0x3b: {  	v12 =	vld.idx.msk [tilespmem:v12+s3+$0x0], $0xffff  }
0x3c: {  	v11 =	vld.idx.msk [tilespmem:v11+s3+$0x0], $0xffff  }
0x3d: {  	v28 =	vld.idx.msk [tilespmem:v10+s3+$0x0], $0xffff  }
0x3e: {  	v30 =	vimm.f32 $0.0e+00;
	v27 =	vld.idx.msk [tilespmem:v27+s11+$0x0], $0xffff  }
0x3f: {  	v63 =	vadd.f32 v15, v30;
	v15 =	vadd.f32 v13, v30;
	v13 =	vld.idx.msk [tilespmem:v22+s11+$0x0], $0xffff  }
0x40: {  	v10 =	vld.idx.msk [tilespmem:v20+s11+$0x0], $0xffff  }
0x41: {  	v20 =	vld.idx.msk [tilespmem:v21+s11+$0x0], $0xffff  }
0x42: {  	v21 =	vld.idx.msk [tilespmem:v18+s11+$0x0], $0xffff  }
0x43: {  	v29 =	vld.idx.msk [tilespmem:v12+s11+$0x0], $0xffff  }
0x44: {  	v12 =	vld.idx.msk [tilespmem:v11+s11+$0x0], $0xffff  }
0x45: {  	v28 =	vld.idx.msk [tilespmem:v28+s11+$0x0], $0xffff  }
0x46: {  	v25 =	vadd.f32 v25, v30;
	v11 =	vld.idx.msk [tilespmem:v17+s11+$0x0], $0xffff  }
0x47: {  	v24 =	vadd.f32 v24, v30;
	v17 =	vld.idx.msk [tilespmem:v26+s11+$0x0], $0xffff  }
0x48: {  	v18 =	vld.idx.msk [tilespmem:v14+s11+$0x0], $0xffff;
	v21 =	vadd.f32 v21, v25;
	v20 =	vadd.f32 v20, v63  }
0x49: {  	v8 =	vadd.s32 $0x5, v8;
	v14 =	vld.idx.msk [tilespmem:v19+s11+$0x0], $0xffff;
	v24 =	vadd.f32 v12, v24  }
0x4a: {  	v9 =	vadd.s32 $0x5, v9;
	v19 =	vadd.f32 v27, v20;
	v20 =	vld.idx.msk [tilespmem:v23+s11+$0x0], $0xffff;
	v21 =	vadd.f32 v29, v21  }
0x4b: {  	s21 =	simm.s32 $0x0;
	v7 =	vadd.s32 $0x5, v7;
	v6 =	vadd.s32 $0x5, v6;
	v12 =	vld.idx.msk [tilespmem:v16+s11+$0x0], $0xffff;
	v16 =	vadd.f32 v28, v24  }
.LBB2_3:
0x4c: {  	v22 =	vadd.s32 $0x1, v6;
	v23 =	vadd.s32 $0x3, v6;
	s21 =	sadd.s32 $0x5, s21;
	v17 =	vadd.f32 v17, v21;
	v21 =	vld.idx.msk [tilespmem:v5+s11+$0x0], $0xffff  }
0x4d: {  	v25 =	vadd.s32 $0x1, v9;
	v5 =	vadd.s32 $0x3, v7;
	v15 =	vadd.f32 v18, v15;
	v24 =	vld.idx.msk [tilespmem:v6+s3+$0x0], $0xffff;
	p0 =	slt.u32 s21, $0x2D  }
0x4e: {  	v26 =	vadd.s32 $0x1, v8;
	v27 =	vadd.s32 $0x4, v6;
	v28 =	vadd.s32 $0x4, v9;
	v18 =	vld.idx.msk [tilespmem:v7+s3+$0x0], $0xffff  }
0x4f: {  	v30 =	vadd.s32 $0x1, v7;
	v31 =	vadd.s32 $0x3, v9;
	v32 =	vadd.s32 $0x4, v7;
	v29 =	vld.idx.msk [tilespmem:v8+s3+$0x0], $0xffff  }
0x50: {  	v34 =	vadd.s32 $0x2, v6;
	v35 =	vadd.s32 $0x3, v8;
	v36 =	vadd.s32 $0x4, v8;
	v33 =	vld.idx.msk [tilespmem:v9+s3+$0x0], $0xffff  }
0x51: {  	v37 =	vadd.s32 $0x2, v9;
	v10 =	vadd.f32 v10, v15;
	v15 =	vadd.f32 v20, v17;
	v22 =	vld.idx.msk [tilespmem:v22+s3+$0x0], $0xffff  }
0x52: {  	v17 =	vadd.s32 $0x2, v8;
	v20 =	vld.idx.msk [tilespmem:v5+s3+$0x0], $0xffff;
	v5 =	vadd.f32 v12, v19;
	v12 =	vadd.f32 v14, v16  }
0x53: {  	v10 =	vadd.f32 v11, v10;
	v14 =	vadd.s32 $0x2, v7;
	v16 =	vld.idx.msk [tilespmem:v28+s3+$0x0], $0xffff  }
0x54: {  	v19 =	vld.idx.msk [tilespmem:v32+s3+$0x0], $0xffff;
	v11 =	vadd.f32 v4, v5;
	v12 =	vadd.f32 v13, v12  }
0x55: {  	v13 =	vadd.f32 v21, v10;
	v5 =	vld.idx.msk [tilespmem:v36+s3+$0x0], $0xffff  }
0x56: {  	v27 =	vld.idx.msk [tilespmem:v27+s3+$0x0], $0xffff  }
0x57: {  	v21 =	vld.idx.msk [tilespmem:v31+s3+$0x0], $0xffff  }
0x58: {  	v28 =	vld.idx.msk [tilespmem:v35+s3+$0x0], $0xffff  }
0x59: {  	v25 =	vld.idx.msk [tilespmem:v25+s3+$0x0], $0xffff  }
0x5a: {  	v18 =	vld.idx.msk [tilespmem:v18+s11+$0x0], $0xffff  }
0x5b: {  	v4 =	vld.idx.msk [tilespmem:v16+s11+$0x0], $0xffff  }
0x5c: {  	v16 =	vld.idx.msk [tilespmem:v26+s3+$0x0], $0xffff  }
0x5d: {  	v24 =	vld.idx.msk [tilespmem:v24+s11+$0x0], $0xffff  }
0x5e: {  	v10 =	vld.idx.msk [tilespmem:v17+s3+$0x0], $0xffff  }
0x5f: {  	v17 =	vld.idx.msk [tilespmem:v33+s11+$0x0], $0xffff  }
0x60: {  	v26 =	vld.idx.msk [tilespmem:v30+s3+$0x0], $0xffff  }
0x61: {  	v30 =	vld.idx.msk [tilespmem:v34+s3+$0x0], $0xffff  }
0x62: {  	v29 =	vld.idx.msk [tilespmem:v29+s11+$0x0], $0xffff  }
0x63: {  	v14 =	vld.idx.msk [tilespmem:v14+s3+$0x0], $0xffff  }
0x64: {  	v23 =	vld.idx.msk [tilespmem:v23+s3+$0x0], $0xffff  }
0x65: {  	v31 =	vld.idx.msk [tilespmem:v37+s3+$0x0], $0xffff  }
0x66: {  	v10 =	vld.idx.msk [tilespmem:v10+s11+$0x0], $0xffff  }
0x67: {  	v17 =	vadd.f32 v17, v11;
	v25 =	vld.idx.msk [tilespmem:v25+s11+$0x0], $0xffff  }
0x68: {  	v24 =	vadd.f32 v24, v15;
	v22 =	vld.idx.msk [tilespmem:v22+s11+$0x0], $0xffff  }
0x69: {  	v15 =	vadd.f32 v29, v13;
	v13 =	vld.idx.msk [tilespmem:v30+s11+$0x0], $0xffff  }
0x6a: {  	v12 =	vadd.f32 v18, v12;
	v26 =	vld.idx.msk [tilespmem:v26+s11+$0x0], $0xffff  }
0x6b: {  	v11 =	vld.idx.msk [tilespmem:v28+s11+$0x0], $0xffff  }
0x6c: {  	v28 =	vld.idx.msk [tilespmem:v14+s11+$0x0], $0xffff  }
0x6d: {  	v25 =	vadd.f32 v25, v17;
	v29 =	vld.idx.msk [tilespmem:v31+s11+$0x0], $0xffff  }
0x6e: {  	v17 =	vld.idx.msk [tilespmem:v23+s11+$0x0], $0xffff  }
.Ltmp0:
0x6f: {  	v18 =	vld.idx.msk [tilespmem:v16+s11+$0x0], $0xffff;
	(pc) =	sbr.rel @p0 .LBB2_3-.Ltmp0, $4  }
0x70: {  	v6 =	vadd.s32 $0x5, v6;
	v16 =	vadd.f32 v22, v24;
	v22 =	vadd.f32 v26, v12;
	v12 =	vld.idx.msk [tilespmem:v21+s11+$0x0], $0xffff  }
0x71: {  	v7 =	vadd.s32 $0x5, v7;
	v14 =	vld.idx.msk [tilespmem:v20+s11+$0x0], $0xffff  }
0x72: {  	v8 =	vadd.s32 $0x5, v8;
	v21 =	vadd.f32 v13, v16;
	v16 =	vadd.f32 v28, v22;
	v13 =	vld.idx.msk [tilespmem:v19+s11+$0x0], $0xffff  }
0x73: {  	v9 =	vadd.s32 $0x5, v9;
	v19 =	vadd.f32 v29, v25;
	v20 =	vld.idx.msk [tilespmem:v27+s11+$0x0], $0xffff  }
0x74: {  	_ =	sdelay $0x2  }
0x75: {  	v6 =	vadd.f32 v18, v15  }
0x76: {  	v5 =	vld.idx.msk [tilespmem:v5+s11+$0x0], $0xffff  }
0x77: {  	v6 =	vadd.f32 v10, v6  }
0x78: {  	v7 =	vadd.f32 v17, v21;
	v8 =	vadd.f32 v12, v19  }
0x79: {  	v9 =	vadd.f32 v14, v16;
	v6 =	vadd.f32 v11, v6  }
0x7a: {  	v4 =	vadd.f32 v4, v8;
	v7 =	vadd.f32 v20, v7  }
0x7b: {  	v62 =	vadd.f32 v13, v9;
	v5 =	vadd.f32 v5, v6  }
0x7c: {  	v63 =	vld [tilespmem:s20+$0xC800]  }
0x7d: {  	s19 =	sadd.s32 $0x1, s19;
	v4 =	vadd.f32 v4, v7;
	v5 =	vadd.f32 v62, v5  }
0x7e: {  	p0 =	sne.s32 s19, $0x8  }
.Ltmp1:
0x7f: {  	v4 =	vadd.f32 v5, v4;
	(pc) =	sbr.rel @p0 .LBB2_2-.Ltmp1, $3  }
0x80: {  	_ = 	snop  }
0x81: {  	v4 =	vadd.f32 v63, v4;
	_ =	sdelay $0x1  }
0x82: {  	[tilespmem:s20+$0xCA00] =	vst v4  }
0x83: {  	_ =	swait.ge [sflag:s16], $0x6400  }
0x84: {  	[sflag:s16] =	ssyncset.done $0x0  }
0x85: {  	s19 =	simm.s32 $0x0;
	[sflag:s16] =	ssyncadd.s32 $0xFFFF9C00  }
0x86: {  	[tilespmem:s19], [sflag:$0x1] =	stream.linear.gather [hbm4b:s7+s19], $0x6400, $0x38;
	[tilespmem:$0xCC80] =	vst v63  }
.LBB2_6:
0x87: {  	s20 =	sshll.u32 s19, $0x4  }
0x88: {  	v4 =	vmov s20  }
0x89: {  	v4 =	vmul.u32 $0xC8, v4;
	_ =	sdelay $0x1  }
0x8a: {  	v4 =	vbroadcast v4, $0x0;
	_ =	sdelay $0x1  }
0x8b: {  	v6 =	vadd.s32 v0, v4  }
0x8c: {  	v7 =	vadd.s32 v3, v4  }
0x8d: {  	v8 =	vadd.s32 v2, v4  }
0x8e: {  	v9 =	vadd.s32 v1, v4  }
0x8f: {  	v4 =	vadd.s32 $0x1, v6  }
0x90: {  	v5 =	vadd.s32 $0x3, v7;
	v10 =	vld.idx.msk [tilespmem:v6+s15+$0x0], $0xffff  }
0x91: {  	v12 =	vadd.s32 $0x4, v9;
	v11 =	vld.idx.msk [tilespmem:v7+s15+$0x0], $0xffff  }
0x92: {  	v14 =	vadd.s32 $0x4, v7;
	v13 =	vld.idx.msk [tilespmem:v8+s15+$0x0], $0xffff  }
0x93: {  	v16 =	vadd.s32 $0x4, v8;
	v15 =	vld.idx.msk [tilespmem:v9+s15+$0x0], $0xffff  }
0x94: {  	v17 =	vadd.s32 $0x4, v6;
	v18 =	vld.idx.msk [tilespmem:v4+s15+$0x0], $0xffff  }
0x95: {  	v20 =	vadd.s32 $0x3, v8;
	v19 =	vld.idx.msk [tilespmem:v5+s15+$0x0], $0xffff  }
0x96: {  	v21 =	vadd.s32 $0x1, v9;
	v12 =	vld.idx.msk [tilespmem:v12+s15+$0x0], $0xffff  }
0x97: {  	v26 =	vadd.s32 $0x3, v6;
	v22 =	vld.idx.msk [tilespmem:v14+s15+$0x0], $0xffff  }
0x98: {  	v27 =	vadd.s32 $0x2, v9;
	v5 =	vld.idx.msk [tilespmem:v16+s15+$0x0], $0xffff  }
0x99: {  	v4 =	vadd.s32 $0x3, v9;
	v23 =	vld.idx.msk [tilespmem:v17+s15+$0x0], $0xffff  }
0x9a: {  	v14 =	vadd.s32 $0x1, v8;
	v17 =	vld.idx.msk [tilespmem:v20+s15+$0x0], $0xffff  }
0x9b: {  	v20 =	vadd.s32 $0x2, v8;
	v21 =	vld.idx.msk [tilespmem:v21+s15+$0x0], $0xffff  }
0x9c: {  	v26 =	vld.idx.msk [tilespmem:v26+s15+$0x0], $0xffff  }
0x9d: {  	v27 =	vld.idx.msk [tilespmem:v27+s15+$0x0], $0xffff  }
0x9e: {  	v16 =	vld.idx.msk [tilespmem:v4+s15+$0x0], $0xffff  }
0x9f: {  	v14 =	vld.idx.msk [tilespmem:v14+s15+$0x0], $0xffff  }
0xa0: {  	v20 =	vld.idx.msk [tilespmem:v20+s15+$0x0], $0xffff  }
0xa1: {  	v4 =	vld.idx.msk [tilespmem:v12+s11+$0x0], $0xffff;
	v12 =	vadd.s32 $0x2, v6  }
0xa2: {  	v24 =	vld.idx.msk [tilespmem:v11+s11+$0x0], $0xffff;
	v11 =	vadd.s32 $0x1, v7  }
0xa3: {  	v25 =	vld.idx.msk [tilespmem:v10+s11+$0x0], $0xffff;
	v10 =	vadd.s32 $0x2, v7  }
0xa4: {  	v15 =	vld.idx.msk [tilespmem:v15+s11+$0x0], $0xffff  }
0xa5: {  	v13 =	vld.idx.msk [tilespmem:v13+s11+$0x0], $0xffff  }
0xa6: {  	v12 =	vld.idx.msk [tilespmem:v12+s15+$0x0], $0xffff  }
0xa7: {  	v11 =	vld.idx.msk [tilespmem:v11+s15+$0x0], $0xffff  }
0xa8: {  	v28 =	vld.idx.msk [tilespmem:v10+s15+$0x0], $0xffff  }
0xa9: {  	v30 =	vimm.f32 $0.0e+00;
	v27 =	vld.idx.msk [tilespmem:v27+s11+$0x0], $0xffff  }
0xaa: {  	v63 =	vadd.f32 v15, v30;
	v15 =	vadd.f32 v13, v30;
	v13 =	vld.idx.msk [tilespmem:v22+s11+$0x0], $0xffff  }
0xab: {  	v10 =	vld.idx.msk [tilespmem:v20+s11+$0x0], $0xffff  }
0xac: {  	v20 =	vld.idx.msk [tilespmem:v21+s11+$0x0], $0xffff  }
0xad: {  	v21 =	vld.idx.msk [tilespmem:v18+s11+$0x0], $0xffff  }
0xae: {  	v29 =	vld.idx.msk [tilespmem:v12+s11+$0x0], $0xffff  }
0xaf: {  	v12 =	vld.idx.msk [tilespmem:v11+s11+$0x0], $0xffff  }
0xb0: {  	v28 =	vld.idx.msk [tilespmem:v28+s11+$0x0], $0xffff  }
0xb1: {  	v25 =	vadd.f32 v25, v30;
	v11 =	vld.idx.msk [tilespmem:v17+s11+$0x0], $0xffff  }
0xb2: {  	v24 =	vadd.f32 v24, v30;
	v17 =	vld.idx.msk [tilespmem:v26+s11+$0x0], $0xffff  }
0xb3: {  	v18 =	vld.idx.msk [tilespmem:v14+s11+$0x0], $0xffff;
	v21 =	vadd.f32 v21, v25;
	v20 =	vadd.f32 v20, v63  }
0xb4: {  	v8 =	vadd.s32 $0x5, v8;
	v14 =	vld.idx.msk [tilespmem:v19+s11+$0x0], $0xffff;
	v24 =	vadd.f32 v12, v24  }
0xb5: {  	v9 =	vadd.s32 $0x5, v9;
	v19 =	vadd.f32 v27, v20;
	v20 =	vld.idx.msk [tilespmem:v23+s11+$0x0], $0xffff;
	v21 =	vadd.f32 v29, v21  }
0xb6: {  	s21 =	simm.s32 $0x0;
	v7 =	vadd.s32 $0x5, v7;
	v6 =	vadd.s32 $0x5, v6;
	v12 =	vld.idx.msk [tilespmem:v16+s11+$0x0], $0xffff;
	v16 =	vadd.f32 v28, v24  }
.LBB2_7:
0xb7: {  	v22 =	vadd.s32 $0x1, v6;
	v23 =	vadd.s32 $0x3, v6;
	s21 =	sadd.s32 $0x5, s21;
	v17 =	vadd.f32 v17, v21;
	v21 =	vld.idx.msk [tilespmem:v5+s11+$0x0], $0xffff  }
0xb8: {  	v25 =	vadd.s32 $0x1, v9;
	v5 =	vadd.s32 $0x3, v7;
	v15 =	vadd.f32 v18, v15;
	v24 =	vld.idx.msk [tilespmem:v6+s15+$0x0], $0xffff;
	p0 =	slt.u32 s21, $0x2D  }
0xb9: {  	v26 =	vadd.s32 $0x1, v8;
	v27 =	vadd.s32 $0x4, v6;
	v28 =	vadd.s32 $0x4, v9;
	v18 =	vld.idx.msk [tilespmem:v7+s15+$0x0], $0xffff  }
0xba: {  	v30 =	vadd.s32 $0x1, v7;
	v31 =	vadd.s32 $0x3, v9;
	v32 =	vadd.s32 $0x4, v7;
	v29 =	vld.idx.msk [tilespmem:v8+s15+$0x0], $0xffff  }
0xbb: {  	v34 =	vadd.s32 $0x2, v6;
	v35 =	vadd.s32 $0x3, v8;
	v36 =	vadd.s32 $0x4, v8;
	v33 =	vld.idx.msk [tilespmem:v9+s15+$0x0], $0xffff  }
0xbc: {  	v37 =	vadd.s32 $0x2, v9;
	v10 =	vadd.f32 v10, v15;
	v15 =	vadd.f32 v20, v17;
	v22 =	vld.idx.msk [tilespmem:v22+s15+$0x0], $0xffff  }
0xbd: {  	v17 =	vadd.s32 $0x2, v8;
	v20 =	vld.idx.msk [tilespmem:v5+s15+$0x0], $0xffff;
	v5 =	vadd.f32 v12, v19;
	v12 =	vadd.f32 v14, v16  }
0xbe: {  	v10 =	vadd.f32 v11, v10;
	v14 =	vadd.s32 $0x2, v7;
	v16 =	vld.idx.msk [tilespmem:v28+s15+$0x0], $0xffff  }
0xbf: {  	v19 =	vld.idx.msk [tilespmem:v32+s15+$0x0], $0xffff;
	v11 =	vadd.f32 v4, v5;
	v12 =	vadd.f32 v13, v12  }
0xc0: {  	v13 =	vadd.f32 v21, v10;
	v5 =	vld.idx.msk [tilespmem:v36+s15+$0x0], $0xffff  }
0xc1: {  	v27 =	vld.idx.msk [tilespmem:v27+s15+$0x0], $0xffff  }
0xc2: {  	v21 =	vld.idx.msk [tilespmem:v31+s15+$0x0], $0xffff  }
0xc3: {  	v28 =	vld.idx.msk [tilespmem:v35+s15+$0x0], $0xffff  }
0xc4: {  	v25 =	vld.idx.msk [tilespmem:v25+s15+$0x0], $0xffff  }
0xc5: {  	v18 =	vld.idx.msk [tilespmem:v18+s11+$0x0], $0xffff  }
0xc6: {  	v4 =	vld.idx.msk [tilespmem:v16+s11+$0x0], $0xffff  }
0xc7: {  	v16 =	vld.idx.msk [tilespmem:v26+s15+$0x0], $0xffff  }
0xc8: {  	v24 =	vld.idx.msk [tilespmem:v24+s11+$0x0], $0xffff  }
0xc9: {  	v10 =	vld.idx.msk [tilespmem:v17+s15+$0x0], $0xffff  }
0xca: {  	v17 =	vld.idx.msk [tilespmem:v33+s11+$0x0], $0xffff  }
0xcb: {  	v26 =	vld.idx.msk [tilespmem:v30+s15+$0x0], $0xffff  }
0xcc: {  	v30 =	vld.idx.msk [tilespmem:v34+s15+$0x0], $0xffff  }
0xcd: {  	v29 =	vld.idx.msk [tilespmem:v29+s11+$0x0], $0xffff  }
0xce: {  	v14 =	vld.idx.msk [tilespmem:v14+s15+$0x0], $0xffff  }
0xcf: {  	v23 =	vld.idx.msk [tilespmem:v23+s15+$0x0], $0xffff  }
0xd0: {  	v31 =	vld.idx.msk [tilespmem:v37+s15+$0x0], $0xffff  }
0xd1: {  	v10 =	vld.idx.msk [tilespmem:v10+s11+$0x0], $0xffff  }
0xd2: {  	v17 =	vadd.f32 v17, v11;
	v25 =	vld.idx.msk [tilespmem:v25+s11+$0x0], $0xffff  }
0xd3: {  	v24 =	vadd.f32 v24, v15;
	v22 =	vld.idx.msk [tilespmem:v22+s11+$0x0], $0xffff  }
0xd4: {  	v15 =	vadd.f32 v29, v13;
	v13 =	vld.idx.msk [tilespmem:v30+s11+$0x0], $0xffff  }
0xd5: {  	v12 =	vadd.f32 v18, v12;
	v26 =	vld.idx.msk [tilespmem:v26+s11+$0x0], $0xffff  }
0xd6: {  	v11 =	vld.idx.msk [tilespmem:v28+s11+$0x0], $0xffff  }
0xd7: {  	v28 =	vld.idx.msk [tilespmem:v14+s11+$0x0], $0xffff  }
0xd8: {  	v25 =	vadd.f32 v25, v17;
	v29 =	vld.idx.msk [tilespmem:v31+s11+$0x0], $0xffff  }
0xd9: {  	v17 =	vld.idx.msk [tilespmem:v23+s11+$0x0], $0xffff  }
.Ltmp2:
0xda: {  	v18 =	vld.idx.msk [tilespmem:v16+s11+$0x0], $0xffff;
	(pc) =	sbr.rel @p0 .LBB2_7-.Ltmp2, $4  }
0xdb: {  	v6 =	vadd.s32 $0x5, v6;
	v16 =	vadd.f32 v22, v24;
	v22 =	vadd.f32 v26, v12;
	v12 =	vld.idx.msk [tilespmem:v21+s11+$0x0], $0xffff  }
0xdc: {  	v7 =	vadd.s32 $0x5, v7;
	v14 =	vld.idx.msk [tilespmem:v20+s11+$0x0], $0xffff  }
0xdd: {  	v8 =	vadd.s32 $0x5, v8;
	v21 =	vadd.f32 v13, v16;
	v16 =	vadd.f32 v28, v22;
	v13 =	vld.idx.msk [tilespmem:v19+s11+$0x0], $0xffff  }
0xde: {  	v9 =	vadd.s32 $0x5, v9;
	v19 =	vadd.f32 v29, v25;
	v20 =	vld.idx.msk [tilespmem:v27+s11+$0x0], $0xffff  }
0xdf: {  	_ =	sdelay $0x2  }
0xe0: {  	v6 =	vadd.f32 v18, v15  }
0xe1: {  	v5 =	vld.idx.msk [tilespmem:v5+s11+$0x0], $0xffff  }
0xe2: {  	v6 =	vadd.f32 v10, v6  }
0xe3: {  	v7 =	vadd.f32 v17, v21;
	v8 =	vadd.f32 v12, v19  }
0xe4: {  	v9 =	vadd.f32 v14, v16;
	v6 =	vadd.f32 v11, v6  }
0xe5: {  	v4 =	vadd.f32 v4, v8;
	v7 =	vadd.f32 v20, v7  }
0xe6: {  	v62 =	vadd.f32 v13, v9;
	v5 =	vadd.f32 v5, v6  }
0xe7: {  	v63 =	vld [tilespmem:s20+$0xC880]  }
0xe8: {  	s19 =	sadd.s32 $0x1, s19;
	v4 =	vadd.f32 v4, v7;
	v5 =	vadd.f32 v62, v5  }
0xe9: {  	p0 =	sne.s32 s19, $0x8  }
.Ltmp3:
0xea: {  	v4 =	vadd.f32 v5, v4;
	(pc) =	sbr.rel @p0 .LBB2_6-.Ltmp3, $3  }
0xeb: {  	_ = 	snop  }
0xec: {  	v4 =	vadd.f32 v63, v4;
	_ =	sdelay $0x1  }
0xed: {  	[tilespmem:s20+$0xCA80] =	vst v4  }
0xee: {  	_ =	swait.ge [sflag:s14], $0x6400  }
0xef: {  	[sflag:s14] =	ssyncset.done $0x0  }
0xf0: {  	s19 =	simm.s32 $0x0;
	[sflag:s14] =	ssyncadd.s32 $0xFFFF9C00  }
0xf1: {  	[tilespmem:s15], [sflag:$0x2] =	stream.linear.gather [hbm4b:s8+s19], $0x6400, $0x38;
	[tilespmem:$0xCC80] =	vst v63  }
.LBB2_10:
0xf2: {  	s20 =	sshll.u32 s19, $0x4  }
0xf3: {  	v4 =	vmov s20  }
0xf4: {  	v4 =	vmul.u32 $0xC8, v4;
	_ =	sdelay $0x1  }
0xf5: {  	v4 =	vbroadcast v4, $0x0;
	_ =	sdelay $0x1  }
0xf6: {  	v6 =	vadd.s32 v0, v4  }
0xf7: {  	v7 =	vadd.s32 v3, v4  }
0xf8: {  	v8 =	vadd.s32 v2, v4  }
0xf9: {  	v9 =	vadd.s32 v1, v4  }
0xfa: {  	v4 =	vadd.s32 $0x1, v6  }
0xfb: {  	v5 =	vadd.s32 $0x3, v7;
	v10 =	vld.idx.msk [tilespmem:v6+s3+$0x0], $0xffff  }
0xfc: {  	v12 =	vadd.s32 $0x4, v9;
	v11 =	vld.idx.msk [tilespmem:v7+s3+$0x0], $0xffff  }
0xfd: {  	v14 =	vadd.s32 $0x4, v7;
	v13 =	vld.idx.msk [tilespmem:v8+s3+$0x0], $0xffff  }
0xfe: {  	v16 =	vadd.s32 $0x4, v8;
	v15 =	vld.idx.msk [tilespmem:v9+s3+$0x0], $0xffff  }
0xff: {  	v17 =	vadd.s32 $0x4, v6;
	v18 =	vld.idx.msk [tilespmem:v4+s3+$0x0], $0xffff  }
0x100: {  	v20 =	vadd.s32 $0x3, v8;
	v19 =	vld.idx.msk [tilespmem:v5+s3+$0x0], $0xffff  }
0x101: {  	v21 =	vadd.s32 $0x1, v9;
	v12 =	vld.idx.msk [tilespmem:v12+s3+$0x0], $0xffff  }
0x102: {  	v26 =	vadd.s32 $0x3, v6;
	v22 =	vld.idx.msk [tilespmem:v14+s3+$0x0], $0xffff  }
0x103: {  	v27 =	vadd.s32 $0x2, v9;
	v5 =	vld.idx.msk [tilespmem:v16+s3+$0x0], $0xffff  }
0x104: {  	v4 =	vadd.s32 $0x3, v9;
	v23 =	vld.idx.msk [tilespmem:v17+s3+$0x0], $0xffff  }
0x105: {  	v14 =	vadd.s32 $0x1, v8;
	v17 =	vld.idx.msk [tilespmem:v20+s3+$0x0], $0xffff  }
0x106: {  	v20 =	vadd.s32 $0x2, v8;
	v21 =	vld.idx.msk [tilespmem:v21+s3+$0x0], $0xffff  }
0x107: {  	v26 =	vld.idx.msk [tilespmem:v26+s3+$0x0], $0xffff  }
0x108: {  	v27 =	vld.idx.msk [tilespmem:v27+s3+$0x0], $0xffff  }
0x109: {  	v16 =	vld.idx.msk [tilespmem:v4+s3+$0x0], $0xffff  }
0x10a: {  	v14 =	vld.idx.msk [tilespmem:v14+s3+$0x0], $0xffff  }
0x10b: {  	v20 =	vld.idx.msk [tilespmem:v20+s3+$0x0], $0xffff  }
0x10c: {  	v4 =	vld.idx.msk [tilespmem:v12+s11+$0x0], $0xffff;
	v12 =	vadd.s32 $0x2, v6  }
0x10d: {  	v24 =	vld.idx.msk [tilespmem:v11+s11+$0x0], $0xffff;
	v11 =	vadd.s32 $0x1, v7  }
0x10e: {  	v25 =	vld.idx.msk [tilespmem:v10+s11+$0x0], $0xffff;
	v10 =	vadd.s32 $0x2, v7  }
0x10f: {  	v15 =	vld.idx.msk [tilespmem:v15+s11+$0x0], $0xffff  }
0x110: {  	v13 =	vld.idx.msk [tilespmem:v13+s11+$0x0], $0xffff  }
0x111: {  	v12 =	vld.idx.msk [tilespmem:v12+s3+$0x0], $0xffff  }
0x112: {  	v11 =	vld.idx.msk [tilespmem:v11+s3+$0x0], $0xffff  }
0x113: {  	v28 =	vld.idx.msk [tilespmem:v10+s3+$0x0], $0xffff  }
0x114: {  	v30 =	vimm.f32 $0.0e+00;
	v27 =	vld.idx.msk [tilespmem:v27+s11+$0x0], $0xffff  }
0x115: {  	v63 =	vadd.f32 v15, v30;
	v15 =	vadd.f32 v13, v30;
	v13 =	vld.idx.msk [tilespmem:v22+s11+$0x0], $0xffff  }
0x116: {  	v10 =	vld.idx.msk [tilespmem:v20+s11+$0x0], $0xffff  }
0x117: {  	v20 =	vld.idx.msk [tilespmem:v21+s11+$0x0], $0xffff  }
0x118: {  	v21 =	vld.idx.msk [tilespmem:v18+s11+$0x0], $0xffff  }
0x119: {  	v29 =	vld.idx.msk [tilespmem:v12+s11+$0x0], $0xffff  }
0x11a: {  	v12 =	vld.idx.msk [tilespmem:v11+s11+$0x0], $0xffff  }
0x11b: {  	v28 =	vld.idx.msk [tilespmem:v28+s11+$0x0], $0xffff  }
0x11c: {  	v25 =	vadd.f32 v25, v30;
	v11 =	vld.idx.msk [tilespmem:v17+s11+$0x0], $0xffff  }
0x11d: {  	v24 =	vadd.f32 v24, v30;
	v17 =	vld.idx.msk [tilespmem:v26+s11+$0x0], $0xffff  }
0x11e: {  	v18 =	vld.idx.msk [tilespmem:v14+s11+$0x0], $0xffff;
	v21 =	vadd.f32 v21, v25;
	v20 =	vadd.f32 v20, v63  }
0x11f: {  	v8 =	vadd.s32 $0x5, v8;
	v14 =	vld.idx.msk [tilespmem:v19+s11+$0x0], $0xffff;
	v24 =	vadd.f32 v12, v24  }
0x120: {  	v9 =	vadd.s32 $0x5, v9;
	v19 =	vadd.f32 v27, v20;
	v20 =	vld.idx.msk [tilespmem:v23+s11+$0x0], $0xffff;
	v21 =	vadd.f32 v29, v21  }
0x121: {  	s21 =	simm.s32 $0x0;
	v7 =	vadd.s32 $0x5, v7;
	v6 =	vadd.s32 $0x5, v6;
	v12 =	vld.idx.msk [tilespmem:v16+s11+$0x0], $0xffff;
	v16 =	vadd.f32 v28, v24  }
.LBB2_11:
0x122: {  	v22 =	vadd.s32 $0x1, v6;
	v23 =	vadd.s32 $0x3, v6;
	s21 =	sadd.s32 $0x5, s21;
	v17 =	vadd.f32 v17, v21;
	v21 =	vld.idx.msk [tilespmem:v5+s11+$0x0], $0xffff  }
0x123: {  	v25 =	vadd.s32 $0x1, v9;
	v5 =	vadd.s32 $0x3, v7;
	v15 =	vadd.f32 v18, v15;
	v24 =	vld.idx.msk [tilespmem:v6+s3+$0x0], $0xffff;
	p0 =	slt.u32 s21, $0x2D  }
0x124: {  	v26 =	vadd.s32 $0x1, v8;
	v27 =	vadd.s32 $0x4, v6;
	v28 =	vadd.s32 $0x4, v9;
	v18 =	vld.idx.msk [tilespmem:v7+s3+$0x0], $0xffff  }
0x125: {  	v30 =	vadd.s32 $0x1, v7;
	v31 =	vadd.s32 $0x3, v9;
	v32 =	vadd.s32 $0x4, v7;
	v29 =	vld.idx.msk [tilespmem:v8+s3+$0x0], $0xffff  }
0x126: {  	v34 =	vadd.s32 $0x2, v6;
	v35 =	vadd.s32 $0x3, v8;
	v36 =	vadd.s32 $0x4, v8;
	v33 =	vld.idx.msk [tilespmem:v9+s3+$0x0], $0xffff  }
0x127: {  	v37 =	vadd.s32 $0x2, v9;
	v10 =	vadd.f32 v10, v15;
	v15 =	vadd.f32 v20, v17;
	v22 =	vld.idx.msk [tilespmem:v22+s3+$0x0], $0xffff  }
0x128: {  	v17 =	vadd.s32 $0x2, v8;
	v20 =	vld.idx.msk [tilespmem:v5+s3+$0x0], $0xffff;
	v5 =	vadd.f32 v12, v19;
	v12 =	vadd.f32 v14, v16  }
0x129: {  	v10 =	vadd.f32 v11, v10;
	v14 =	vadd.s32 $0x2, v7;
	v16 =	vld.idx.msk [tilespmem:v28+s3+$0x0], $0xffff  }
0x12a: {  	v19 =	vld.idx.msk [tilespmem:v32+s3+$0x0], $0xffff;
	v11 =	vadd.f32 v4, v5;
	v12 =	vadd.f32 v13, v12  }
0x12b: {  	v13 =	vadd.f32 v21, v10;
	v5 =	vld.idx.msk [tilespmem:v36+s3+$0x0], $0xffff  }
0x12c: {  	v27 =	vld.idx.msk [tilespmem:v27+s3+$0x0], $0xffff  }
0x12d: {  	v21 =	vld.idx.msk [tilespmem:v31+s3+$0x0], $0xffff  }
0x12e: {  	v28 =	vld.idx.msk [tilespmem:v35+s3+$0x0], $0xffff  }
0x12f: {  	v25 =	vld.idx.msk [tilespmem:v25+s3+$0x0], $0xffff  }
0x130: {  	v18 =	vld.idx.msk [tilespmem:v18+s11+$0x0], $0xffff  }
0x131: {  	v4 =	vld.idx.msk [tilespmem:v16+s11+$0x0], $0xffff  }
0x132: {  	v16 =	vld.idx.msk [tilespmem:v26+s3+$0x0], $0xffff  }
0x133: {  	v24 =	vld.idx.msk [tilespmem:v24+s11+$0x0], $0xffff  }
0x134: {  	v10 =	vld.idx.msk [tilespmem:v17+s3+$0x0], $0xffff  }
0x135: {  	v17 =	vld.idx.msk [tilespmem:v33+s11+$0x0], $0xffff  }
0x136: {  	v26 =	vld.idx.msk [tilespmem:v30+s3+$0x0], $0xffff  }
0x137: {  	v30 =	vld.idx.msk [tilespmem:v34+s3+$0x0], $0xffff  }
0x138: {  	v29 =	vld.idx.msk [tilespmem:v29+s11+$0x0], $0xffff  }
0x139: {  	v14 =	vld.idx.msk [tilespmem:v14+s3+$0x0], $0xffff  }
0x13a: {  	v23 =	vld.idx.msk [tilespmem:v23+s3+$0x0], $0xffff  }
0x13b: {  	v31 =	vld.idx.msk [tilespmem:v37+s3+$0x0], $0xffff  }
0x13c: {  	v10 =	vld.idx.msk [tilespmem:v10+s11+$0x0], $0xffff  }
0x13d: {  	v17 =	vadd.f32 v17, v11;
	v25 =	vld.idx.msk [tilespmem:v25+s11+$0x0], $0xffff  }
0x13e: {  	v24 =	vadd.f32 v24, v15;
	v22 =	vld.idx.msk [tilespmem:v22+s11+$0x0], $0xffff  }
0x13f: {  	v15 =	vadd.f32 v29, v13;
	v13 =	vld.idx.msk [tilespmem:v30+s11+$0x0], $0xffff  }
0x140: {  	v12 =	vadd.f32 v18, v12;
	v26 =	vld.idx.msk [tilespmem:v26+s11+$0x0], $0xffff  }
0x141: {  	v11 =	vld.idx.msk [tilespmem:v28+s11+$0x0], $0xffff  }
0x142: {  	v28 =	vld.idx.msk [tilespmem:v14+s11+$0x0], $0xffff  }
0x143: {  	v25 =	vadd.f32 v25, v17;
	v29 =	vld.idx.msk [tilespmem:v31+s11+$0x0], $0xffff  }
0x144: {  	v17 =	vld.idx.msk [tilespmem:v23+s11+$0x0], $0xffff  }
.Ltmp4:
0x145: {  	v18 =	vld.idx.msk [tilespmem:v16+s11+$0x0], $0xffff;
	(pc) =	sbr.rel @p0 .LBB2_11-.Ltmp4, $4  }
0x146: {  	v6 =	vadd.s32 $0x5, v6;
	v16 =	vadd.f32 v22, v24;
	v22 =	vadd.f32 v26, v12;
	v12 =	vld.idx.msk [tilespmem:v21+s11+$0x0], $0xffff  }
0x147: {  	v7 =	vadd.s32 $0x5, v7;
	v14 =	vld.idx.msk [tilespmem:v20+s11+$0x0], $0xffff  }
0x148: {  	v8 =	vadd.s32 $0x5, v8;
	v21 =	vadd.f32 v13, v16;
	v16 =	vadd.f32 v28, v22;
	v13 =	vld.idx.msk [tilespmem:v19+s11+$0x0], $0xffff  }
0x149: {  	v9 =	vadd.s32 $0x5, v9;
	v19 =	vadd.f32 v29, v25;
	v20 =	vld.idx.msk [tilespmem:v27+s11+$0x0], $0xffff  }
0x14a: {  	_ =	sdelay $0x2  }
0x14b: {  	v6 =	vadd.f32 v18, v15  }
0x14c: {  	v5 =	vld.idx.msk [tilespmem:v5+s11+$0x0], $0xffff  }
0x14d: {  	v6 =	vadd.f32 v10, v6  }
0x14e: {  	v7 =	vadd.f32 v17, v21;
	v8 =	vadd.f32 v12, v19  }
0x14f: {  	v9 =	vadd.f32 v14, v16;
	v6 =	vadd.f32 v11, v6  }
0x150: {  	v4 =	vadd.f32 v4, v8;
	v7 =	vadd.f32 v20, v7  }
0x151: {  	v62 =	vadd.f32 v13, v9;
	v5 =	vadd.f32 v5, v6  }
0x152: {  	v63 =	vld [tilespmem:s20+$0xC900]  }
0x153: {  	s19 =	sadd.s32 $0x1, s19;
	v4 =	vadd.f32 v4, v7;
	v5 =	vadd.f32 v62, v5  }
0x154: {  	p0 =	sne.s32 s19, $0x8  }
.Ltmp5:
0x155: {  	v4 =	vadd.f32 v5, v4;
	(pc) =	sbr.rel @p0 .LBB2_10-.Ltmp5, $3  }
0x156: {  	_ = 	snop  }
0x157: {  	v4 =	vadd.f32 v63, v4;
	_ =	sdelay $0x1  }
0x158: {  	[tilespmem:s20+$0xCB00] =	vst v4  }
0x159: {  	_ =	swait.ge [sflag:s16], $0x6400  }
0x15a: {  	[sflag:s16] =	ssyncset.done $0x0  }
0x15b: {  	s19 =	simm.s32 $0x0;
	[sflag:s16] =	ssyncadd.s32 $0xFFFF9C00  }
.LBB2_14:
0x15c: {  	s20 =	sshll.u32 s19, $0x4  }
0x15d: {  	v4 =	vmov s20  }
0x15e: {  	v4 =	vmul.u32 $0xC8, v4;
	_ =	sdelay $0x1  }
0x15f: {  	v4 =	vbroadcast v4, $0x0;
	_ =	sdelay $0x1  }
0x160: {  	v6 =	vadd.s32 v0, v4  }
0x161: {  	v7 =	vadd.s32 v3, v4  }
0x162: {  	v8 =	vadd.s32 v2, v4  }
0x163: {  	v9 =	vadd.s32 v1, v4  }
0x164: {  	v4 =	vadd.s32 $0x1, v6  }
0x165: {  	v5 =	vadd.s32 $0x3, v7;
	v10 =	vld.idx.msk [tilespmem:v6+s15+$0x0], $0xffff  }
0x166: {  	v12 =	vadd.s32 $0x4, v9;
	v11 =	vld.idx.msk [tilespmem:v7+s15+$0x0], $0xffff  }
0x167: {  	v14 =	vadd.s32 $0x4, v7;
	v13 =	vld.idx.msk [tilespmem:v8+s15+$0x0], $0xffff  }
0x168: {  	v16 =	vadd.s32 $0x4, v8;
	v15 =	vld.idx.msk [tilespmem:v9+s15+$0x0], $0xffff  }
0x169: {  	v17 =	vadd.s32 $0x4, v6;
	v18 =	vld.idx.msk [tilespmem:v4+s15+$0x0], $0xffff  }
0x16a: {  	v20 =	vadd.s32 $0x3, v8;
	v19 =	vld.idx.msk [tilespmem:v5+s15+$0x0], $0xffff  }
0x16b: {  	v21 =	vadd.s32 $0x1, v9;
	v12 =	vld.idx.msk [tilespmem:v12+s15+$0x0], $0xffff  }
0x16c: {  	v26 =	vadd.s32 $0x3, v6;
	v22 =	vld.idx.msk [tilespmem:v14+s15+$0x0], $0xffff  }
0x16d: {  	v27 =	vadd.s32 $0x2, v9;
	v5 =	vld.idx.msk [tilespmem:v16+s15+$0x0], $0xffff  }
0x16e: {  	v4 =	vadd.s32 $0x3, v9;
	v23 =	vld.idx.msk [tilespmem:v17+s15+$0x0], $0xffff  }
0x16f: {  	v14 =	vadd.s32 $0x1, v8;
	v17 =	vld.idx.msk [tilespmem:v20+s15+$0x0], $0xffff  }
0x170: {  	v20 =	vadd.s32 $0x2, v8;
	v21 =	vld.idx.msk [tilespmem:v21+s15+$0x0], $0xffff  }
0x171: {  	v26 =	vld.idx.msk [tilespmem:v26+s15+$0x0], $0xffff  }
0x172: {  	v27 =	vld.idx.msk [tilespmem:v27+s15+$0x0], $0xffff  }
0x173: {  	v16 =	vld.idx.msk [tilespmem:v4+s15+$0x0], $0xffff  }
0x174: {  	v14 =	vld.idx.msk [tilespmem:v14+s15+$0x0], $0xffff  }
0x175: {  	v20 =	vld.idx.msk [tilespmem:v20+s15+$0x0], $0xffff  }
0x176: {  	v4 =	vld.idx.msk [tilespmem:v12+s11+$0x0], $0xffff;
	v12 =	vadd.s32 $0x2, v6  }
0x177: {  	v24 =	vld.idx.msk [tilespmem:v11+s11+$0x0], $0xffff;
	v11 =	vadd.s32 $0x1, v7  }
0x178: {  	v25 =	vld.idx.msk [tilespmem:v10+s11+$0x0], $0xffff;
	v10 =	vadd.s32 $0x2, v7  }
0x179: {  	v15 =	vld.idx.msk [tilespmem:v15+s11+$0x0], $0xffff  }
0x17a: {  	v13 =	vld.idx.msk [tilespmem:v13+s11+$0x0], $0xffff  }
0x17b: {  	v12 =	vld.idx.msk [tilespmem:v12+s15+$0x0], $0xffff  }
0x17c: {  	v11 =	vld.idx.msk [tilespmem:v11+s15+$0x0], $0xffff  }
0x17d: {  	v28 =	vld.idx.msk [tilespmem:v10+s15+$0x0], $0xffff  }
0x17e: {  	v30 =	vimm.f32 $0.0e+00;
	v27 =	vld.idx.msk [tilespmem:v27+s11+$0x0], $0xffff  }
0x17f: {  	v63 =	vadd.f32 v15, v30;
	v15 =	vadd.f32 v13, v30;
	v13 =	vld.idx.msk [tilespmem:v22+s11+$0x0], $0xffff  }
0x180: {  	v10 =	vld.idx.msk [tilespmem:v20+s11+$0x0], $0xffff  }
0x181: {  	v20 =	vld.idx.msk [tilespmem:v21+s11+$0x0], $0xffff  }
0x182: {  	v21 =	vld.idx.msk [tilespmem:v18+s11+$0x0], $0xffff  }
0x183: {  	v29 =	vld.idx.msk [tilespmem:v12+s11+$0x0], $0xffff  }
0x184: {  	v12 =	vld.idx.msk [tilespmem:v11+s11+$0x0], $0xffff  }
0x185: {  	v28 =	vld.idx.msk [tilespmem:v28+s11+$0x0], $0xffff  }
0x186: {  	v25 =	vadd.f32 v25, v30;
	v11 =	vld.idx.msk [tilespmem:v17+s11+$0x0], $0xffff  }
0x187: {  	v24 =	vadd.f32 v24, v30;
	v17 =	vld.idx.msk [tilespmem:v26+s11+$0x0], $0xffff  }
0x188: {  	v18 =	vld.idx.msk [tilespmem:v14+s11+$0x0], $0xffff;
	v21 =	vadd.f32 v21, v25;
	v20 =	vadd.f32 v20, v63  }
0x189: {  	v8 =	vadd.s32 $0x5, v8;
	v14 =	vld.idx.msk [tilespmem:v19+s11+$0x0], $0xffff;
	v24 =	vadd.f32 v12, v24  }
0x18a: {  	v9 =	vadd.s32 $0x5, v9;
	v19 =	vadd.f32 v27, v20;
	v20 =	vld.idx.msk [tilespmem:v23+s11+$0x0], $0xffff;
	v21 =	vadd.f32 v29, v21  }
0x18b: {  	s21 =	simm.s32 $0x0;
	v7 =	vadd.s32 $0x5, v7;
	v6 =	vadd.s32 $0x5, v6;
	v12 =	vld.idx.msk [tilespmem:v16+s11+$0x0], $0xffff;
	v16 =	vadd.f32 v28, v24  }
.LBB2_15:
0x18c: {  	v22 =	vadd.s32 $0x1, v6;
	v23 =	vadd.s32 $0x3, v6;
	s21 =	sadd.s32 $0x5, s21;
	v17 =	vadd.f32 v17, v21;
	v21 =	vld.idx.msk [tilespmem:v5+s11+$0x0], $0xffff  }
0x18d: {  	v25 =	vadd.s32 $0x1, v9;
	v5 =	vadd.s32 $0x3, v7;
	v15 =	vadd.f32 v18, v15;
	v24 =	vld.idx.msk [tilespmem:v6+s15+$0x0], $0xffff;
	p0 =	slt.u32 s21, $0x2D  }
0x18e: {  	v26 =	vadd.s32 $0x1, v8;
	v27 =	vadd.s32 $0x4, v6;
	v28 =	vadd.s32 $0x4, v9;
	v18 =	vld.idx.msk [tilespmem:v7+s15+$0x0], $0xffff  }
0x18f: {  	v30 =	vadd.s32 $0x1, v7;
	v31 =	vadd.s32 $0x3, v9;
	v32 =	vadd.s32 $0x4, v7;
	v29 =	vld.idx.msk [tilespmem:v8+s15+$0x0], $0xffff  }
0x190: {  	v34 =	vadd.s32 $0x2, v6;
	v35 =	vadd.s32 $0x3, v8;
	v36 =	vadd.s32 $0x4, v8;
	v33 =	vld.idx.msk [tilespmem:v9+s15+$0x0], $0xffff  }
0x191: {  	v37 =	vadd.s32 $0x2, v9;
	v10 =	vadd.f32 v10, v15;
	v15 =	vadd.f32 v20, v17;
	v22 =	vld.idx.msk [tilespmem:v22+s15+$0x0], $0xffff  }
0x192: {  	v17 =	vadd.s32 $0x2, v8;
	v20 =	vld.idx.msk [tilespmem:v5+s15+$0x0], $0xffff;
	v5 =	vadd.f32 v12, v19;
	v12 =	vadd.f32 v14, v16  }
0x193: {  	v10 =	vadd.f32 v11, v10;
	v14 =	vadd.s32 $0x2, v7;
	v16 =	vld.idx.msk [tilespmem:v28+s15+$0x0], $0xffff  }
0x194: {  	v19 =	vld.idx.msk [tilespmem:v32+s15+$0x0], $0xffff;
	v11 =	vadd.f32 v4, v5;
	v12 =	vadd.f32 v13, v12  }
0x195: {  	v13 =	vadd.f32 v21, v10;
	v5 =	vld.idx.msk [tilespmem:v36+s15+$0x0], $0xffff  }
0x196: {  	v27 =	vld.idx.msk [tilespmem:v27+s15+$0x0], $0xffff  }
0x197: {  	v21 =	vld.idx.msk [tilespmem:v31+s15+$0x0], $0xffff  }
0x198: {  	v28 =	vld.idx.msk [tilespmem:v35+s15+$0x0], $0xffff  }
0x199: {  	v25 =	vld.idx.msk [tilespmem:v25+s15+$0x0], $0xffff  }
0x19a: {  	v18 =	vld.idx.msk [tilespmem:v18+s11+$0x0], $0xffff  }
0x19b: {  	v4 =	vld.idx.msk [tilespmem:v16+s11+$0x0], $0xffff  }
0x19c: {  	v16 =	vld.idx.msk [tilespmem:v26+s15+$0x0], $0xffff  }
0x19d: {  	v24 =	vld.idx.msk [tilespmem:v24+s11+$0x0], $0xffff  }
0x19e: {  	v10 =	vld.idx.msk [tilespmem:v17+s15+$0x0], $0xffff  }
0x19f: {  	v17 =	vld.idx.msk [tilespmem:v33+s11+$0x0], $0xffff  }
0x1a0: {  	v26 =	vld.idx.msk [tilespmem:v30+s15+$0x0], $0xffff  }
0x1a1: {  	v30 =	vld.idx.msk [tilespmem:v34+s15+$0x0], $0xffff  }
0x1a2: {  	v29 =	vld.idx.msk [tilespmem:v29+s11+$0x0], $0xffff  }
0x1a3: {  	v14 =	vld.idx.msk [tilespmem:v14+s15+$0x0], $0xffff  }
0x1a4: {  	v23 =	vld.idx.msk [tilespmem:v23+s15+$0x0], $0xffff  }
0x1a5: {  	v31 =	vld.idx.msk [tilespmem:v37+s15+$0x0], $0xffff  }
0x1a6: {  	v10 =	vld.idx.msk [tilespmem:v10+s11+$0x0], $0xffff  }
0x1a7: {  	v17 =	vadd.f32 v17, v11;
	v25 =	vld.idx.msk [tilespmem:v25+s11+$0x0], $0xffff  }
0x1a8: {  	v24 =	vadd.f32 v24, v15;
	v22 =	vld.idx.msk [tilespmem:v22+s11+$0x0], $0xffff  }
0x1a9: {  	v15 =	vadd.f32 v29, v13;
	v13 =	vld.idx.msk [tilespmem:v30+s11+$0x0], $0xffff  }
0x1aa: {  	v12 =	vadd.f32 v18, v12;
	v26 =	vld.idx.msk [tilespmem:v26+s11+$0x0], $0xffff  }
0x1ab: {  	v11 =	vld.idx.msk [tilespmem:v28+s11+$0x0], $0xffff  }
0x1ac: {  	v28 =	vld.idx.msk [tilespmem:v14+s11+$0x0], $0xffff  }
0x1ad: {  	v25 =	vadd.f32 v25, v17;
	v29 =	vld.idx.msk [tilespmem:v31+s11+$0x0], $0xffff  }
0x1ae: {  	v17 =	vld.idx.msk [tilespmem:v23+s11+$0x0], $0xffff  }
.Ltmp6:
0x1af: {  	v18 =	vld.idx.msk [tilespmem:v16+s11+$0x0], $0xffff;
	(pc) =	sbr.rel @p0 .LBB2_15-.Ltmp6, $4  }
0x1b0: {  	v6 =	vadd.s32 $0x5, v6;
	v16 =	vadd.f32 v22, v24;
	v22 =	vadd.f32 v26, v12;
	v12 =	vld.idx.msk [tilespmem:v21+s11+$0x0], $0xffff  }
0x1b1: {  	v7 =	vadd.s32 $0x5, v7;
	v14 =	vld.idx.msk [tilespmem:v20+s11+$0x0], $0xffff  }
0x1b2: {  	v8 =	vadd.s32 $0x5, v8;
	v21 =	vadd.f32 v13, v16;
	v16 =	vadd.f32 v28, v22;
	v13 =	vld.idx.msk [tilespmem:v19+s11+$0x0], $0xffff  }
0x1b3: {  	v9 =	vadd.s32 $0x5, v9;
	v19 =	vadd.f32 v29, v25;
	v20 =	vld.idx.msk [tilespmem:v27+s11+$0x0], $0xffff  }
0x1b4: {  	_ =	sdelay $0x2  }
0x1b5: {  	v6 =	vadd.f32 v18, v15  }
0x1b6: {  	v5 =	vld.idx.msk [tilespmem:v5+s11+$0x0], $0xffff  }
0x1b7: {  	v6 =	vadd.f32 v10, v6  }
0x1b8: {  	v7 =	vadd.f32 v17, v21;
	v8 =	vadd.f32 v12, v19  }
0x1b9: {  	v9 =	vadd.f32 v14, v16;
	v6 =	vadd.f32 v11, v6  }
0x1ba: {  	v4 =	vadd.f32 v4, v8;
	v7 =	vadd.f32 v20, v7  }
0x1bb: {  	v62 =	vadd.f32 v13, v9;
	v5 =	vadd.f32 v5, v6  }
0x1bc: {  	v63 =	vld [tilespmem:s20+$0xC980]  }
0x1bd: {  	s19 =	sadd.s32 $0x1, s19;
	v4 =	vadd.f32 v4, v7;
	v5 =	vadd.f32 v62, v5  }
0x1be: {  	p0 =	sne.s32 s19, $0x8  }
.Ltmp7:
0x1bf: {  	v4 =	vadd.f32 v5, v4;
	(pc) =	sbr.rel @p0 .LBB2_14-.Ltmp7, $3  }
0x1c0: {  	_ = 	snop  }
0x1c1: {  	v4 =	vadd.f32 v63, v4;
	_ =	sdelay $0x1  }
0x1c2: {  	[tilespmem:s20+$0xCB80] =	vst v4  }
0x1c3: {  	s18 =	sadd.s32 $0x1, s18  }
0x1c4: {  	p0 =	sne.s32 s18, s10  }
.Ltmp8:
0x1c5: {  	_ = 	snop;
	(pc) =	sbr.rel @p0 .LBB2_1-.Ltmp8, $4  }
0x1c6: {  	[hbm4b:s9+s3] =	stream.linear.scatter [tilespmem:s17], [sflag:$0x3], $0x200, $0x38;
	[tilespmem:$0xCC80] =	vst v63  }
0x1c7: {  	_ =	swait.ge [sflag:s12], $0x200  }
0x1c8: {  	[sflag:s12] =	ssyncset.done $0x0  }
0x1c9: {  	[sflag:s12] =	ssyncadd.s32 $0xFFFFFE00  }
0x1ca: {  	_ =	sfence.sel $0x180000  }
0x1cb: {  	[bflag:$0x0] =	sbarrier.arrive $0xFFFF  }
0x1cc: {  	p0 =	sne.s32 s0, $0x0;
	_ =	strace $0x90000047  }
0x1cd: {  	s0 =	sadd.s32 @!p0 $0x100000, s1;
	[bflag:$0x2] =	sbarrier.arrive $0xFFFF  }
0x1ce: {  	[sflag:s0] =	ssyncadd.tile.s32 @!p0 $0x1;
	_ =	shalt  }
.Lfunc_end2:
_tile_overlayer_lowered:
.L_overlay_start_2:
0x1cf: {  	(tag) =	ssettag $0x2  }
0x1d0: {  	s0 =	rddreg [dreg:$0x0];
	s2 =	stileid.u32  }
0x1d1: {  	s1 =	rddreg [dreg:$0x1];
	p0 =	sne.s32 s2, $0x0  }
0x1d2: {  	s3 =	rddreg [dreg:$0x2];
	[bflag:$0x3] =	sbarrier.arrive $0xFFFF;
	s2 =	simm.s32 @!p0 $0x1C03  }
0x1d3: {  	[timem:s3], [sflag:s2] =	dma.local @!p0 [hbm:s0], s1  }
0x1d4: {  	s0 =	simm.s32 @!p0 $0x3  }
0x1d5: {  	_ =	swait.ge @!p0 [sflag:s0], s1  }
0x1d6: {  	s1 =	ssub.s32 @!p0 $0x0, s1;
	[sflag:s0] =	ssyncset.done @!p0 $0x0  }
0x1d7: {  	[sflag:s0] =	ssyncadd.s32 @!p0 s1  }
0x1d8: {  	[bflag:$0x3] =	sbarrier.arrive $0xFFFF  }
0x1d9: {  	_ =	shalt  }

</sc_bundles>
